<compile_context>
chip_gen: v7x
topology: tpu7x:2x2x1
jax: 0.10.2.dev20260603
libtpu: 0.0.44.dev20260713+nightly
codegen_flags: <defaults>
</compile_context>

<pallas_src>
import functools

import jax
import jax.numpy as jnp
from jax import lax
from jax.experimental import pallas as pl
from jax.experimental.pallas import tpu as pltpu
from jax.experimental.pallas import tpu_sc as plsc

_NB = 1024
_NBUF = 4
_RSPLIT = 8


def _sc_gather(se, me, source, mode):
    B = source.shape[0]
    emb = se.shape[1]
    info = plsc.get_sparse_core_info()
    nw = info.num_cores * info.num_subcores
    bpw = B // nw
    mesh = plsc.VectorSubcoreMesh(core_axis_name="c", subcore_axis_name="s")

    @functools.partial(
        pl.kernel, mesh=mesh,
        compiler_params=pltpu.CompilerParams(use_tc_tiling_on_sc=False),
        out_type=jax.ShapeDtypeStruct((2, B, emb), jnp.float32),
        scratch_types=[
            pltpu.VMEM((bpw,), jnp.int32),
            pltpu.VMEM((bpw, emb), jnp.float32),
            pltpu.SemaphoreType.DMA,
        ],
    )
    def k(se_hbm, me_hbm, src_hbm, mode_hbm, xe_hbm, idx_v, rows_v, sem):
        wid = lax.axis_index("s") * info.num_cores + lax.axis_index("c")
        base = wid * bpw
        pltpu.sync_copy(src_hbm.at[pl.ds(base, bpw)], idx_v)
        pltpu.async_copy(se_hbm.at[idx_v], rows_v, sem).wait()
        pltpu.sync_copy(rows_v, xe_hbm.at[0, pl.ds(base, bpw)])
        pltpu.sync_copy(mode_hbm.at[pl.ds(base, bpw)], idx_v)
        pltpu.async_copy(me_hbm.at[idx_v], rows_v, sem).wait()
        pltpu.sync_copy(rows_v, xe_hbm.at[1, pl.ds(base, bpw)])

    return k(se, me, source, mode)


def _trunk_body(xe_ref, w1_ref, b1_ref, w2_ref, b2_ref, wld_ref,
                hcat_ref, p_ref):
    emb = xe_ref.shape[2]
    hid = w2_ref.shape[0]
    w1 = w1_ref[...]
    h = lax.dot_general(xe_ref[0], w1[:, :emb], (((1,), (1,)), ((), ())),
                        preferred_element_type=jnp.float32)
    h = h + lax.dot_general(xe_ref[1], w1[:, emb:], (((1,), (1,)), ((), ())),
                            preferred_element_type=jnp.float32)
    h = jnp.maximum(h + b1_ref[...], 0.0)
    h = lax.dot_general(h, w2_ref[...], (((1,), (1,)), ((), ())),
                        preferred_element_type=jnp.float32)
    h = jnp.maximum(h + b2_ref[...], 0.0)
    hb = h.astype(jnp.bfloat16)
    wld = wld_ref[...]
    nworlds = p_ref.shape[1]
    for w in range(nworlds):
        hcat_ref[:, w * hid:(w + 1) * hid] = jnp.where(wld == w, hb, 0)
    widx = lax.broadcasted_iota(jnp.int32, (wld.shape[0], nworlds), 1)
    p_ref[...] = (wld == widx).astype(jnp.bfloat16)


def _make_head_body(nb, n_full):

    def body(hcat_ref, bh_ref, p_ref, wh_hbm, out_hbm,
             wh_buf, acc_buf, sem_in, sem_out):
        nworlds = wh_hbm.shape[0]
        b = hcat_ref.shape[0]
        rs = b // _RSPLIT
        n = pl.program_id(0)
        nsteps = pl.num_programs(0)

        def read_copies(blk_idx, width):
            buf_slot = lax.rem(blk_idx, _NBUF)
            return [pltpu.make_async_copy(
                wh_hbm.at[w, pl.ds(blk_idx * nb, width), :],
                wh_buf.at[buf_slot, w, pl.ds(0, width), :],
                sem_in.at[buf_slot, w]) for w in range(nworlds)]

        def write_copies(blk_idx, width):
            buf_slot = lax.rem(blk_idx, _NBUF)
            return [pltpu.make_async_copy(
                acc_buf.at[buf_slot, pl.ds(r * rs, rs), pl.ds(0, width)],
                out_hbm.at[pl.ds(r * rs, rs), pl.ds(blk_idx * nb, width)],
                sem_out.at[buf_slot, r]) for r in range(_RSPLIT)]

        @pl.when(n == 0)
        def _():
            for m in range(min(_NBUF - 1, n_full)):
                for c in read_copies(m, nb):
                    c.start()

        @pl.when(n + _NBUF - 1 < n_full)
        def _():
            for c in read_copies(n + _NBUF - 1, nb):
                c.start()

        @pl.when(n >= _NBUF)
        def _():
            for c in write_copies(n - _NBUF, nb):
                c.wait()

        for c in read_copies(n, nb):
            c.wait()

        acc = lax.dot_general(p_ref[...], bh_ref[...].astype(jnp.bfloat16),
                              (((1,), (0,)), ((), ())),
                              preferred_element_type=jnp.float32)
        slot = lax.rem(n, _NBUF)
        whcat = jnp.concatenate(
            [wh_buf[slot, w] for w in range(nworlds)], axis=-1)
        acc = acc + lax.dot_general(hcat_ref[...], whcat,
                                    (((1,), (1,)), ((), ())),
                                    preferred_element_type=jnp.float32)
        acc_buf[slot] = acc.astype(jnp.bfloat16)

        for c in write_copies(n, nb):
            c.start()

        @pl.when(n == nsteps - 1)
        def _():
            for k in range(_NBUF - 1, -1, -1):
                @pl.when(n - k >= 0)
                def _(k=k):
                    for c in write_copies(n - k, nb):
                        c.wait()

    return body


def _tail_body(hcat_ref, wh_ref, bh_ref, p_ref, prev_ref, out_ref):
    nworlds = wh_ref.shape[0]
    acc = lax.dot_general(p_ref[...], bh_ref[...].astype(jnp.bfloat16),
                          (((1,), (0,)), ((), ())),
                          preferred_element_type=jnp.float32)
    whcat = jnp.concatenate(
        [wh_ref[w] for w in range(nworlds)], axis=-1)
    acc = acc + lax.dot_general(hcat_ref[...], whcat, (((1,), (1,)), ((), ())),
                                preferred_element_type=jnp.float32)
    out_ref[...] = acc.astype(jnp.bfloat16)


def kernel(source, mode, context_id, se, me, W1, b1, W2, b2, Wh, bh):
    B = source.shape[0]
    HID = W1.shape[0]
    NW, N, _ = Wh.shape

    xe = _sc_gather(se, me, source.astype(jnp.int32), mode.astype(jnp.int32))
    worlds = jnp.clip(context_id.astype(jnp.int32) - 1, 0, NW - 1)
    worlds = worlds.reshape(B, 1)

    hcat, p = pl.pallas_call(
        _trunk_body,
        out_shape=(jax.ShapeDtypeStruct((B, NW * HID), jnp.bfloat16),
                   jax.ShapeDtypeStruct((B, NW), jnp.bfloat16)),
    )(xe, W1, b1.reshape(1, HID), W2, b2.reshape(1, HID), worlds)

    whb = Wh.astype(jnp.bfloat16)
    nb = _NB
    n_full = N // nb
    tail = N - n_full * nb
    out = pl.pallas_call(
        _make_head_body(nb, n_full),
        grid=(n_full,),
        in_specs=[
            pl.BlockSpec((B, NW * HID), lambda n: (0, 0)),
            pl.BlockSpec((NW, nb), lambda n: (0, n)),
            pl.BlockSpec((B, NW), lambda n: (0, 0)),
            pl.BlockSpec(memory_space=pl.ANY),
        ],
        out_specs=pl.BlockSpec(memory_space=pl.ANY),
        out_shape=jax.ShapeDtypeStruct((B, N), jnp.bfloat16),
        scratch_shapes=[
            pltpu.VMEM((_NBUF, NW, nb, HID), jnp.bfloat16),
            pltpu.VMEM((_NBUF, B, nb), jnp.bfloat16),
            pltpu.SemaphoreType.DMA((_NBUF, NW)),
            pltpu.SemaphoreType.DMA((_NBUF, _RSPLIT)),
        ],
        compiler_params=pltpu.CompilerParams(
            dimension_semantics=("arbitrary",),
        ),
    )(hcat, bh, p, whb)
    if tail:
        out = pl.pallas_call(
            _tail_body,
            grid=(1,),
            in_specs=[
                pl.BlockSpec((B, NW * HID), lambda n: (0, 0)),
                pl.BlockSpec((NW, nb, HID), lambda n: (0, n_full, 0)),
                pl.BlockSpec((NW, nb), lambda n: (0, n_full)),
                pl.BlockSpec((B, NW), lambda n: (0, 0)),
                pl.BlockSpec(memory_space=pl.ANY),
            ],
            out_specs=pl.BlockSpec((B, nb), lambda n: (0, n_full)),
            out_shape=jax.ShapeDtypeStruct((B, N), jnp.bfloat16),
            input_output_aliases={4: 0},
        )(hcat, whb, bh, p, out)
    return out.astype(jnp.float32)

# --- scband reference (transcript-rebuilt; emitter-appended) ---
"""Pipeline reference for scband-world-head-transition-mlp-44513041056258 (READ-ONLY COPY).

The authoritative reference and input builder live on the scoring server;
editing this copy changes nothing except your own understanding.
"""

import jax, jax.numpy as jnp
import numpy as np

NODE_COUNT = 100000
MODE_COUNT = 16
WORLD_COUNT = 8
EMB = 64
HID = 128
B = 1024


def setup_inputs(seed: int = 0) -> dict:
    key = jax.random.key(seed)
    ks = jax.random.split(key, 12)
    source = jax.random.randint(ks[0], (B,), 0, NODE_COUNT + 1)
    mode = jax.random.randint(ks[1], (B,), 0, MODE_COUNT + 1)
    context_id = jax.random.randint(ks[2], (B,), 0, 9)
    se = 0.02 * jax.random.normal(ks[3], (NODE_COUNT + 1, EMB), dtype=jnp.float32)
    me = 0.02 * jax.random.normal(ks[4], (MODE_COUNT + 1, EMB), dtype=jnp.float32)
    W1 = 0.02 * jax.random.normal(ks[5], (HID, 2 * EMB), dtype=jnp.float32)
    b1 = jnp.zeros((HID,), dtype=jnp.float32)
    W2 = 0.02 * jax.random.normal(ks[6], (HID, HID), dtype=jnp.float32)
    b2 = jnp.zeros((HID,), dtype=jnp.float32)
    Wh = 0.02 * jax.random.normal(ks[7], (WORLD_COUNT, NODE_COUNT + 1, HID), dtype=jnp.float32)
    bh = jnp.zeros((WORLD_COUNT, NODE_COUNT + 1), dtype=jnp.float32)
    return {"source": source, "mode": mode, "context_id": context_id,
            "se": se, "me": me, "W1": W1, "b1": b1, "W2": W2, "b2": b2,
            "Wh": Wh, "bh": bh}


def reference(source, mode, context_id, se, me, W1, b1, W2, b2, Wh, bh):
    # shared trunk: concat(embed(source), embed(mode)) -> MLP
    x = jnp.concatenate([jnp.take(se, source, axis=0), jnp.take(me, mode, axis=0)], axis=-1)
    h = jax.nn.relu(x @ W1.T + b1)
    h = jax.nn.relu(h @ W2.T + b2)
    # route each token to its world-specific head
    worlds = jnp.clip(context_id - 1, 0, WORLD_COUNT - 1)
    out = jnp.zeros((h.shape[0], Wh.shape[1]), dtype=h.dtype)
    for w in range(WORLD_COUNT):
        head = h @ Wh[w].T + bh[w]
        out = jnp.where((worlds == w)[:, None], head, out)
    return out

if __name__ == "__main__":
    import jax
    _d = setup_inputs()
    print(jax.jit(kernel)(*tuple(_d.values())))

</pallas_src>

<mosaic_0001>
#map = affine_map<(d0, d1) -> (0, 0)>
#map1 = affine_map<(d0, d1) -> (0)>
#map2 = affine_map<(d0, d1) -> (0, 0, 0)>
module attributes {stable_mosaic.version = 14 : i64} {
  func.func @k(%arg0: i32, %arg1: i32, %arg2: memref<100001x64xf32, #tpu.memory_space<hbm>>, %arg3: memref<17x64xf32, #tpu.memory_space<hbm>>, %arg4: memref<1024xi32, #tpu.memory_space<hbm>>, %arg5: memref<1024xi32, #tpu.memory_space<hbm>>, %arg6: memref<2x1024x64xf32, #tpu.memory_space<hbm>>, %arg7: memref<32xi32, #tpu.memory_space<vmem>>, %arg8: memref<32x64xf32, #tpu.memory_space<vmem>>, %arg9: memref<!tpu.dma_semaphore, #tpu.memory_space<semaphore_mem>>) attributes {dimension_semantics = [#tpu.dimension_semantics<core_parallel>, #tpu.dimension_semantics<subcore_parallel>], iteration_bounds = array<i64: 2, 16>, scalar_prefetch = 0 : i64, scratch_operands = 3 : i64, tpu.core_type = #tpu.core_type<sc_vector_subcore>, window_params = [{transform_indices = #map}, {transform_indices = #map}, {transform_indices = #map1}, {transform_indices = #map1}, {transform_indices = #map2}]} {
    %mul3A = arith.constant 2 : i32
    %mul3A_0 = arith.muli %arg1, %mul3A : i32
    %add3A = arith.addi %mul3A_0, %arg0 : i32
    %mul3A_1 = arith.constant 32 : i32
    %mul3A_2 = arith.muli %add3A, %mul3A_1 : i32
    "tpu.region"() ({
      %run_scoped3A_14 = tpu.sem_alloc : memref<!tpu.dma_semaphore, #tpu.memory_space<semaphore_mem>>
      %dma_start3A_15 = tpu.memref_slice %arg4[%mul3A_2] : memref<1024xi32, #tpu.memory_space<hbm>> -> memref<32xi32, #tpu.memory_space<hbm>>
      %dma_start3A_16 = tpu.memref_slice %arg4[%mul3A_2] : memref<1024xi32, #tpu.memory_space<hbm>> -> memref<32xi32, #tpu.memory_space<hbm>>
      tpu.enqueue_dma source(%dma_start3A_16 : memref<32xi32, #tpu.memory_space<hbm>>) target(%arg7 : memref<32xi32, #tpu.memory_space<vmem>>) target_semaphore(%run_scoped3A_14 : memref<!tpu.dma_semaphore, #tpu.memory_space<semaphore_mem>>)
      %dma_wait3A_17 = tpu.memref_slice %arg4[%mul3A_2] : memref<1024xi32, #tpu.memory_space<hbm>> -> memref<32xi32, #tpu.memory_space<hbm>>
      %dma_wait3A_18 = tpu.memref_slice %arg4[%mul3A_2] : memref<1024xi32, #tpu.memory_space<hbm>> -> memref<32xi32, #tpu.memory_space<hbm>>
      tpu.wait_dma2 semaphore(%run_scoped3A_14 : memref<!tpu.dma_semaphore, #tpu.memory_space<semaphore_mem>>) src(%dma_wait3A_18 : memref<32xi32, #tpu.memory_space<hbm>>) dst(%arg7 : memref<32xi32, #tpu.memory_space<vmem>>)
      tpu.yield
    }) : () -> ()
    %dma_start3A = arith.constant 0 : i32
    %dma_start3A_3 = arith.constant 0 : i32
    %dma_start3A_4 = tpu.memref_slice %arg2[%dma_start3A, %dma_start3A_3] : memref<100001x64xf32, #tpu.memory_space<hbm>> -> memref<100001x64xf32, #tpu.memory_space<hbm>>
    tpu.enqueue_indirect_dma source(%dma_start3A_4 : memref<100001x64xf32, #tpu.memory_space<hbm>>) target(%arg8 : memref<32x64xf32, #tpu.memory_space<vmem>>) offsets(%arg7 : memref<32xi32, #tpu.memory_space<vmem>>) semaphore(%arg9 : memref<!tpu.dma_semaphore, #tpu.memory_space<semaphore_mem>>)
    %dma_wait3A = arith.constant 0 : i32
    %dma_wait3A_5 = arith.constant 0 : i32
    %dma_wait3A_6 = tpu.memref_slice %arg2[%dma_wait3A, %dma_wait3A_5] : memref<100001x64xf32, #tpu.memory_space<hbm>> -> memref<100001x64xf32, #tpu.memory_space<hbm>>
    tpu.wait_indirect_dma semaphore(%arg9 : memref<!tpu.dma_semaphore, #tpu.memory_space<semaphore_mem>>) src(%dma_wait3A_6 : memref<100001x64xf32, #tpu.memory_space<hbm>>) dst(%arg8 : memref<32x64xf32, #tpu.memory_space<vmem>>)
    %run_scoped3A = arith.constant 0 : i32
    "tpu.region"() ({
      %run_scoped3A_14 = tpu.sem_alloc : memref<!tpu.dma_semaphore, #tpu.memory_space<semaphore_mem>>
      %dma_start3A_15 = arith.constant 0 : i32
      %dma_start3A_16 = tpu.memref_slice %arg6[%run_scoped3A, %mul3A_2, %dma_start3A_15] : memref<2x1024x64xf32, #tpu.memory_space<hbm>> -> memref<1x32x64xf32, #tpu.memory_space<hbm>>
      %dma_start3A_17 = tpu.memref_squeeze %dma_start3A_16 : memref<1x32x64xf32, #tpu.memory_space<hbm>> -> memref<32x64xf32, #tpu.memory_space<hbm>>
      %dma_start3A_18 = arith.constant 0 : i32
      %dma_start3A_19 = tpu.memref_slice %arg6[%run_scoped3A, %mul3A_2, %dma_start3A_18] : memref<2x1024x64xf32, #tpu.memory_space<hbm>> -> memref<1x32x64xf32, #tpu.memory_space<hbm>>
      %dma_start3A_20 = tpu.memref_squeeze %dma_start3A_19 : memref<1x32x64xf32, #tpu.memory_space<hbm>> -> memref<32x64xf32, #tpu.memory_space<hbm>>
      tpu.enqueue_dma source(%arg8 : memref<32x64xf32, #tpu.memory_space<vmem>>) target(%dma_start3A_20 : memref<32x64xf32, #tpu.memory_space<hbm>>) target_semaphore(%run_scoped3A_14 : memref<!tpu.dma_semaphore, #tpu.memory_space<semaphore_mem>>)
      %dma_wait3A_21 = arith.constant 0 : i32
      %dma_wait3A_22 = tpu.memref_slice %arg6[%run_scoped3A, %mul3A_2, %dma_wait3A_21] : memref<2x1024x64xf32, #tpu.memory_space<hbm>> -> memref<1x32x64xf32, #tpu.memory_space<hbm>>
      %dma_wait3A_23 = tpu.memref_squeeze %dma_wait3A_22 : memref<1x32x64xf32, #tpu.memory_space<hbm>> -> memref<32x64xf32, #tpu.memory_space<hbm>>
      %dma_wait3A_24 = arith.constant 0 : i32
      %dma_wait3A_25 = tpu.memref_slice %arg6[%run_scoped3A, %mul3A_2, %dma_wait3A_24] : memref<2x1024x64xf32, #tpu.memory_space<hbm>> -> memref<1x32x64xf32, #tpu.memory_space<hbm>>
      %dma_wait3A_26 = tpu.memref_squeeze %dma_wait3A_25 : memref<1x32x64xf32, #tpu.memory_space<hbm>> -> memref<32x64xf32, #tpu.memory_space<hbm>>
      tpu.wait_dma2 semaphore(%run_scoped3A_14 : memref<!tpu.dma_semaphore, #tpu.memory_space<semaphore_mem>>) src(%arg8 : memref<32x64xf32, #tpu.memory_space<vmem>>) dst(%dma_wait3A_26 : memref<32x64xf32, #tpu.memory_space<hbm>>)
      tpu.yield
    }) : () -> ()
    "tpu.region"() ({
      %run_scoped3A_14 = tpu.sem_alloc : memref<!tpu.dma_semaphore, #tpu.memory_space<semaphore_mem>>
      %dma_start3A_15 = tpu.memref_slice %arg5[%mul3A_2] : memref<1024xi32, #tpu.memory_space<hbm>> -> memref<32xi32, #tpu.memory_space<hbm>>
      %dma_start3A_16 = tpu.memref_slice %arg5[%mul3A_2] : memref<1024xi32, #tpu.memory_space<hbm>> -> memref<32xi32, #tpu.memory_space<hbm>>
      tpu.enqueue_dma source(%dma_start3A_16 : memref<32xi32, #tpu.memory_space<hbm>>) target(%arg7 : memref<32xi32, #tpu.memory_space<vmem>>) target_semaphore(%run_scoped3A_14 : memref<!tpu.dma_semaphore, #tpu.memory_space<semaphore_mem>>)
      %dma_wait3A_17 = tpu.memref_slice %arg5[%mul3A_2] : memref<1024xi32, #tpu.memory_space<hbm>> -> memref<32xi32, #tpu.memory_space<hbm>>
      %dma_wait3A_18 = tpu.memref_slice %arg5[%mul3A_2] : memref<1024xi32, #tpu.memory_space<hbm>> -> memref<32xi32, #tpu.memory_space<hbm>>
      tpu.wait_dma2 semaphore(%run_scoped3A_14 : memref<!tpu.dma_semaphore, #tpu.memory_space<semaphore_mem>>) src(%dma_wait3A_18 : memref<32xi32, #tpu.memory_space<hbm>>) dst(%arg7 : memref<32xi32, #tpu.memory_space<vmem>>)
      tpu.yield
    }) : () -> ()
    %dma_start3A_7 = arith.constant 0 : i32
    %dma_start3A_8 = arith.constant 0 : i32
    %dma_start3A_9 = tpu.memref_slice %arg3[%dma_start3A_7, %dma_start3A_8] : memref<17x64xf32, #tpu.memory_space<hbm>> -> memref<17x64xf32, #tpu.memory_space<hbm>>
    tpu.enqueue_indirect_dma source(%dma_start3A_9 : memref<17x64xf32, #tpu.memory_space<hbm>>) target(%arg8 : memref<32x64xf32, #tpu.memory_space<vmem>>) offsets(%arg7 : memref<32xi32, #tpu.memory_space<vmem>>) semaphore(%arg9 : memref<!tpu.dma_semaphore, #tpu.memory_space<semaphore_mem>>)
    %dma_wait3A_10 = arith.constant 0 : i32
    %dma_wait3A_11 = arith.constant 0 : i32
    %dma_wait3A_12 = tpu.memref_slice %arg3[%dma_wait3A_10, %dma_wait3A_11] : memref<17x64xf32, #tpu.memory_space<hbm>> -> memref<17x64xf32, #tpu.memory_space<hbm>>
    tpu.wait_indirect_dma semaphore(%arg9 : memref<!tpu.dma_semaphore, #tpu.memory_space<semaphore_mem>>) src(%dma_wait3A_12 : memref<17x64xf32, #tpu.memory_space<hbm>>) dst(%arg8 : memref<32x64xf32, #tpu.memory_space<vmem>>)
    %run_scoped3A_13 = arith.constant 1 : i32
    "tpu.region"() ({
      %run_scoped3A_14 = tpu.sem_alloc : memref<!tpu.dma_semaphore, #tpu.memory_space<semaphore_mem>>
      %dma_start3A_15 = arith.constant 0 : i32
      %dma_start3A_16 = tpu.memref_slice %arg6[%run_scoped3A_13, %mul3A_2, %dma_start3A_15] : memref<2x1024x64xf32, #tpu.memory_space<hbm>> -> memref<1x32x64xf32, #tpu.memory_space<hbm>>
      %dma_start3A_17 = tpu.memref_squeeze %dma_start3A_16 : memref<1x32x64xf32, #tpu.memory_space<hbm>> -> memref<32x64xf32, #tpu.memory_space<hbm>>
      %dma_start3A_18 = arith.constant 0 : i32
      %dma_start3A_19 = tpu.memref_slice %arg6[%run_scoped3A_13, %mul3A_2, %dma_start3A_18] : memref<2x1024x64xf32, #tpu.memory_space<hbm>> -> memref<1x32x64xf32, #tpu.memory_space<hbm>>
      %dma_start3A_20 = tpu.memref_squeeze %dma_start3A_19 : memref<1x32x64xf32, #tpu.memory_space<hbm>> -> memref<32x64xf32, #tpu.memory_space<hbm>>
      tpu.enqueue_dma source(%arg8 : memref<32x64xf32, #tpu.memory_space<vmem>>) target(%dma_start3A_20 : memref<32x64xf32, #tpu.memory_space<hbm>>) target_semaphore(%run_scoped3A_14 : memref<!tpu.dma_semaphore, #tpu.memory_space<semaphore_mem>>)
      %dma_wait3A_21 = arith.constant 0 : i32
      %dma_wait3A_22 = tpu.memref_slice %arg6[%run_scoped3A_13, %mul3A_2, %dma_wait3A_21] : memref<2x1024x64xf32, #tpu.memory_space<hbm>> -> memref<1x32x64xf32, #tpu.memory_space<hbm>>
      %dma_wait3A_23 = tpu.memref_squeeze %dma_wait3A_22 : memref<1x32x64xf32, #tpu.memory_space<hbm>> -> memref<32x64xf32, #tpu.memory_space<hbm>>
      %dma_wait3A_24 = arith.constant 0 : i32
      %dma_wait3A_25 = tpu.memref_slice %arg6[%run_scoped3A_13, %mul3A_2, %dma_wait3A_24] : memref<2x1024x64xf32, #tpu.memory_space<hbm>> -> memref<1x32x64xf32, #tpu.memory_space<hbm>>
      %dma_wait3A_26 = tpu.memref_squeeze %dma_wait3A_25 : memref<1x32x64xf32, #tpu.memory_space<hbm>> -> memref<32x64xf32, #tpu.memory_space<hbm>>
      tpu.wait_dma2 semaphore(%run_scoped3A_14 : memref<!tpu.dma_semaphore, #tpu.memory_space<semaphore_mem>>) src(%arg8 : memref<32x64xf32, #tpu.memory_space<vmem>>) dst(%dma_wait3A_26 : memref<32x64xf32, #tpu.memory_space<hbm>>)
      tpu.yield
    }) : () -> ()
    return
  }
}

module attributes {stable_mosaic.version = 14 : i64} {
  func.func @_trunk_body(%arg0: memref<2x1024x64xf32, #tpu.memory_space<vmem>>, %arg1: memref<128x128xf32, #tpu.memory_space<vmem>>, %arg2: memref<1x128xf32, #tpu.memory_space<vmem>>, %arg3: memref<128x128xf32, #tpu.memory_space<vmem>>, %arg4: memref<1x128xf32, #tpu.memory_space<vmem>>, %arg5: memref<1024x1xi32, #tpu.memory_space<vmem>>, %arg6: memref<1024x1024xbf16, #tpu.memory_space<vmem>>, %arg7: memref<1024x8xbf16, #tpu.memory_space<vmem>>) attributes {dimension_semantics = [], scalar_prefetch = 0 : i64, scratch_operands = 0 : i64, tpu.core_type = #tpu.core_type<tc>} {
    %get3A = arith.constant 0 : index
    %get3A_0 = arith.constant 0 : index
    %get3A_1 = vector.load %arg1[%get3A, %get3A_0] : memref<128x128xf32, #tpu.memory_space<vmem>>, vector<128x128xf32>
    %get3A_2 = arith.constant 0 : index
    %get3A_3 = arith.constant 0 : index
    %get3A_4 = arith.constant 0 : index
    %get3A_5 = vector.load %arg0[%get3A_2, %get3A_3, %get3A_4] : memref<2x1024x64xf32, #tpu.memory_space<vmem>>, vector<1x1024x64xf32>
    %get3A_6 = vector.shape_cast %get3A_5 : vector<1x1024x64xf32> to vector<1024x64xf32>
    %slice3A = vector.extract_strided_slice %get3A_1 {offsets = [0, 0], sizes = [128, 64], strides = [1, 1]} : vector<128x128xf32> to vector<128x64xf32>
    %dot_general3A = arith.constant dense<0.000000e+00> : vector<1024x128xf32>
    %dot_general3A_7 = tpu.matmul %get3A_6, %slice3A, %dot_general3A {dimension_numbers = #tpu.dot_dimension_numbers<[1], [1], [0], [0], [0, 0, 1, 0], [], []>, transpose_lhs_hint = false} : vector<1024x64xf32>, vector<128x64xf32>, vector<1024x128xf32> -> vector<1024x128xf32>
    %get3A_8 = arith.constant 1 : index
    %get3A_9 = arith.constant 0 : index
    %get3A_10 = arith.constant 0 : index
    %get3A_11 = vector.load %arg0[%get3A_8, %get3A_9, %get3A_10] : memref<2x1024x64xf32, #tpu.memory_space<vmem>>, vector<1x1024x64xf32>
    %get3A_12 = vector.shape_cast %get3A_11 : vector<1x1024x64xf32> to vector<1024x64xf32>
    %slice3A_13 = vector.extract_strided_slice %get3A_1 {offsets = [0, 64], sizes = [128, 64], strides = [1, 1]} : vector<128x128xf32> to vector<128x64xf32>
    %dot_general3A_14 = arith.constant dense<0.000000e+00> : vector<1024x128xf32>
    %dot_general3A_15 = tpu.matmul %get3A_12, %slice3A_13, %dot_general3A_14 {dimension_numbers = #tpu.dot_dimension_numbers<[1], [1], [0], [0], [0, 0, 1, 0], [], []>, transpose_lhs_hint = false} : vector<1024x64xf32>, vector<128x64xf32>, vector<1024x128xf32> -> vector<1024x128xf32>
    %add3A = arith.addf %dot_general3A_7, %dot_general3A_15 : vector<1024x128xf32>
    %get3A_16 = arith.constant 0 : index
    %get3A_17 = arith.constant 0 : index
    %get3A_18 = vector.load %arg2[%get3A_16, %get3A_17] : memref<1x128xf32, #tpu.memory_space<vmem>>, vector<1x128xf32>
    %add3A_19 = vector.broadcast %get3A_18 : vector<1x128xf32> to vector<1024x128xf32>
    %add3A_20 = arith.addf %add3A, %add3A_19 : vector<1024x128xf32>
    %max3A = arith.constant 0.000000e+00 : f32
    %max3A_21 = vector.broadcast %max3A : f32 to vector<1024x128xf32>
    %max3A_22 = arith.maximumf %add3A_20, %max3A_21 : vector<1024x128xf32>
    %get3A_23 = arith.constant 0 : index
    %get3A_24 = arith.constant 0 : index
    %get3A_25 = vector.load %arg3[%get3A_23, %get3A_24] : memref<128x128xf32, #tpu.memory_space<vmem>>, vector<128x128xf32>
    %dot_general3A_26 = arith.constant dense<0.000000e+00> : vector<1024x128xf32>
    %dot_general3A_27 = tpu.matmul %max3A_22, %get3A_25, %dot_general3A_26 {dimension_numbers = #tpu.dot_dimension_numbers<[1], [1], [0], [0], [0, 0, 1, 0], [], []>, transpose_lhs_hint = false} : vector<1024x128xf32>, vector<128x128xf32>, vector<1024x128xf32> -> vector<1024x128xf32>
    %get3A_28 = arith.constant 0 : index
    %get3A_29 = arith.constant 0 : index
    %get3A_30 = vector.load %arg4[%get3A_28, %get3A_29] : memref<1x128xf32, #tpu.memory_space<vmem>>, vector<1x128xf32>
    %add3A_31 = vector.broadcast %get3A_30 : vector<1x128xf32> to vector<1024x128xf32>
    %add3A_32 = arith.addf %dot_general3A_27, %add3A_31 : vector<1024x128xf32>
    %max3A_33 = arith.constant 0.000000e+00 : f32
    %max3A_34 = vector.broadcast %max3A_33 : f32 to vector<1024x128xf32>
    %max3A_35 = arith.maximumf %add3A_32, %max3A_34 : vector<1024x128xf32>
    %convert_element_type3A = arith.truncf %max3A_35 : vector<1024x128xf32> to vector<1024x128xbf16>
    %get3A_36 = arith.constant 0 : index
    %get3A_37 = arith.constant 0 : index
    %get3A_38 = vector.load %arg5[%get3A_36, %get3A_37] : memref<1024x1xi32, #tpu.memory_space<vmem>>, vector<1024x1xi32>
    %eq3A = arith.constant 0 : i32
    %eq3A_39 = vector.broadcast %eq3A : i32 to vector<1024x1xi32>
    %eq3A_40 = arith.cmpi eq, %get3A_38, %eq3A_39 : vector<1024x1xi32>
    %jit3A = arith.constant 0 : i32
    %convert_element_type3A_41 = arith.sitofp %jit3A : i32 to bf16
    %broadcast_in_dim3A = vector.shape_cast %eq3A_40 : vector<1024x1xi1> to vector<1024x1xi1>
    %broadcast_in_dim3A_42 = vector.broadcast %broadcast_in_dim3A : vector<1024x1xi1> to vector<1024x128xi1>
    %broadcast_in_dim3A_43 = vector.broadcast %convert_element_type3A_41 : bf16 to vector<1024x128xbf16>
    %select_n3A = arith.select %broadcast_in_dim3A_42, %convert_element_type3A, %broadcast_in_dim3A_43 : vector<1024x128xi1>, vector<1024x128xbf16>
    %swap3A = arith.constant 0 : index
    %swap3A_44 = arith.constant 0 : index
    %swap3A_45 = vector.load %arg6[%swap3A, %swap3A_44] : memref<1024x1024xbf16, #tpu.memory_space<vmem>>, vector<1024x128xbf16>
    tpu.vector_store %arg6[%swap3A, %swap3A_44], %select_n3A {strides = array<i32>} : memref<1024x1024xbf16, #tpu.memory_space<vmem>>, vector<1024x128xbf16>,
    %eq3A_46 = arith.constant 1 : i32
    %eq3A_47 = vector.broadcast %eq3A_46 : i32 to vector<1024x1xi32>
    %eq3A_48 = arith.cmpi eq, %get3A_38, %eq3A_47 : vector<1024x1xi32>
    %jit3A_49 = arith.constant 0 : i32
    %convert_element_type3A_50 = arith.sitofp %jit3A_49 : i32 to bf16
    %broadcast_in_dim3A_51 = vector.shape_cast %eq3A_48 : vector<1024x1xi1> to vector<1024x1xi1>
    %broadcast_in_dim3A_52 = vector.broadcast %broadcast_in_dim3A_51 : vector<1024x1xi1> to vector<1024x128xi1>
    %broadcast_in_dim3A_53 = vector.broadcast %convert_element_type3A_50 : bf16 to vector<1024x128xbf16>
    %select_n3A_54 = arith.select %broadcast_in_dim3A_52, %convert_element_type3A, %broadcast_in_dim3A_53 : vector<1024x128xi1>, vector<1024x128xbf16>
    %swap3A_55 = arith.constant 0 : index
    %swap3A_56 = arith.constant 128 : index
    %swap3A_57 = vector.load %arg6[%swap3A_55, %swap3A_56] : memref<1024x1024xbf16, #tpu.memory_space<vmem>>, vector<1024x128xbf16>
    tpu.vector_store %arg6[%swap3A_55, %swap3A_56], %select_n3A_54 {strides = array<i32>} : memref<1024x1024xbf16, #tpu.memory_space<vmem>>, vector<1024x128xbf16>,
    %eq3A_58 = arith.constant 2 : i32
    %eq3A_59 = vector.broadcast %eq3A_58 : i32 to vector<1024x1xi32>
    %eq3A_60 = arith.cmpi eq, %get3A_38, %eq3A_59 : vector<1024x1xi32>
    %jit3A_61 = arith.constant 0 : i32
    %convert_element_type3A_62 = arith.sitofp %jit3A_61 : i32 to bf16
    %broadcast_in_dim3A_63 = vector.shape_cast %eq3A_60 : vector<1024x1xi1> to vector<1024x1xi1>
    %broadcast_in_dim3A_64 = vector.broadcast %broadcast_in_dim3A_63 : vector<1024x1xi1> to vector<1024x128xi1>
    %broadcast_in_dim3A_65 = vector.broadcast %convert_element_type3A_62 : bf16 to vector<1024x128xbf16>
    %select_n3A_66 = arith.select %broadcast_in_dim3A_64, %convert_element_type3A, %broadcast_in_dim3A_65 : vector<1024x128xi1>, vector<1024x128xbf16>
    %swap3A_67 = arith.constant 0 : index
    %swap3A_68 = arith.constant 256 : index
    %swap3A_69 = vector.load %arg6[%swap3A_67, %swap3A_68] : memref<1024x1024xbf16, #tpu.memory_space<vmem>>, vector<1024x128xbf16>
    tpu.vector_store %arg6[%swap3A_67, %swap3A_68], %select_n3A_66 {strides = array<i32>} : memref<1024x1024xbf16, #tpu.memory_space<vmem>>, vector<1024x128xbf16>,
    %eq3A_70 = arith.constant 3 : i32
    %eq3A_71 = vector.broadcast %eq3A_70 : i32 to vector<1024x1xi32>
    %eq3A_72 = arith.cmpi eq, %get3A_38, %eq3A_71 : vector<1024x1xi32>
    %jit3A_73 = arith.constant 0 : i32
    %convert_element_type3A_74 = arith.sitofp %jit3A_73 : i32 to bf16
    %broadcast_in_dim3A_75 = vector.shape_cast %eq3A_72 : vector<1024x1xi1> to vector<1024x1xi1>
    %broadcast_in_dim3A_76 = vector.broadcast %broadcast_in_dim3A_75 : vector<1024x1xi1> to vector<1024x128xi1>
    %broadcast_in_dim3A_77 = vector.broadcast %convert_element_type3A_74 : bf16 to vector<1024x128xbf16>
    %select_n3A_78 = arith.select %broadcast_in_dim3A_76, %convert_element_type3A, %broadcast_in_dim3A_77 : vector<1024x128xi1>, vector<1024x128xbf16>
    %swap3A_79 = arith.constant 0 : index
    %swap3A_80 = arith.constant 384 : index
    %swap3A_81 = vector.load %arg6[%swap3A_79, %swap3A_80] : memref<1024x1024xbf16, #tpu.memory_space<vmem>>, vector<1024x128xbf16>
    tpu.vector_store %arg6[%swap3A_79, %swap3A_80], %select_n3A_78 {strides = array<i32>} : memref<1024x1024xbf16, #tpu.memory_space<vmem>>, vector<1024x128xbf16>,
    %eq3A_82 = arith.constant 4 : i32
    %eq3A_83 = vector.broadcast %eq3A_82 : i32 to vector<1024x1xi32>
    %eq3A_84 = arith.cmpi eq, %get3A_38, %eq3A_83 : vector<1024x1xi32>
    %jit3A_85 = arith.constant 0 : i32
    %convert_element_type3A_86 = arith.sitofp %jit3A_85 : i32 to bf16
    %broadcast_in_dim3A_87 = vector.shape_cast %eq3A_84 : vector<1024x1xi1> to vector<1024x1xi1>
    %broadcast_in_dim3A_88 = vector.broadcast %broadcast_in_dim3A_87 : vector<1024x1xi1> to vector<1024x128xi1>
    %broadcast_in_dim3A_89 = vector.broadcast %convert_element_type3A_86 : bf16 to vector<1024x128xbf16>
    %select_n3A_90 = arith.select %broadcast_in_dim3A_88, %convert_element_type3A, %broadcast_in_dim3A_89 : vector<1024x128xi1>, vector<1024x128xbf16>
    %swap3A_91 = arith.constant 0 : index
    %swap3A_92 = arith.constant 512 : index
    %swap3A_93 = vector.load %arg6[%swap3A_91, %swap3A_92] : memref<1024x1024xbf16, #tpu.memory_space<vmem>>, vector<1024x128xbf16>
    tpu.vector_store %arg6[%swap3A_91, %swap3A_92], %select_n3A_90 {strides = array<i32>} : memref<1024x1024xbf16, #tpu.memory_space<vmem>>, vector<1024x128xbf16>,
    %eq3A_94 = arith.constant 5 : i32
    %eq3A_95 = vector.broadcast %eq3A_94 : i32 to vector<1024x1xi32>
    %eq3A_96 = arith.cmpi eq, %get3A_38, %eq3A_95 : vector<1024x1xi32>
    %jit3A_97 = arith.constant 0 : i32
    %convert_element_type3A_98 = arith.sitofp %jit3A_97 : i32 to bf16
    %broadcast_in_dim3A_99 = vector.shape_cast %eq3A_96 : vector<1024x1xi1> to vector<1024x1xi1>
    %broadcast_in_dim3A_100 = vector.broadcast %broadcast_in_dim3A_99 : vector<1024x1xi1> to vector<1024x128xi1>
    %broadcast_in_dim3A_101 = vector.broadcast %convert_element_type3A_98 : bf16 to vector<1024x128xbf16>
    %select_n3A_102 = arith.select %broadcast_in_dim3A_100, %convert_element_type3A, %broadcast_in_dim3A_101 : vector<1024x128xi1>, vector<1024x128xbf16>
    %swap3A_103 = arith.constant 0 : index
    %swap3A_104 = arith.constant 640 : index
    %swap3A_105 = vector.load %arg6[%swap3A_103, %swap3A_104] : memref<1024x1024xbf16, #tpu.memory_space<vmem>>, vector<1024x128xbf16>
    tpu.vector_store %arg6[%swap3A_103, %swap3A_104], %select_n3A_102 {strides = array<i32>} : memref<1024x1024xbf16, #tpu.memory_space<vmem>>, vector<1024x128xbf16>,
    %eq3A_106 = arith.constant 6 : i32
    %eq3A_107 = vector.broadcast %eq3A_106 : i32 to vector<1024x1xi32>
    %eq3A_108 = arith.cmpi eq, %get3A_38, %eq3A_107 : vector<1024x1xi32>
    %jit3A_109 = arith.constant 0 : i32
    %convert_element_type3A_110 = arith.sitofp %jit3A_109 : i32 to bf16
    %broadcast_in_dim3A_111 = vector.shape_cast %eq3A_108 : vector<1024x1xi1> to vector<1024x1xi1>
    %broadcast_in_dim3A_112 = vector.broadcast %broadcast_in_dim3A_111 : vector<1024x1xi1> to vector<1024x128xi1>
    %broadcast_in_dim3A_113 = vector.broadcast %convert_element_type3A_110 : bf16 to vector<1024x128xbf16>
    %select_n3A_114 = arith.select %broadcast_in_dim3A_112, %convert_element_type3A, %broadcast_in_dim3A_113 : vector<1024x128xi1>, vector<1024x128xbf16>
    %swap3A_115 = arith.constant 0 : index
    %swap3A_116 = arith.constant 768 : index
    %swap3A_117 = vector.load %arg6[%swap3A_115, %swap3A_116] : memref<1024x1024xbf16, #tpu.memory_space<vmem>>, vector<1024x128xbf16>
    tpu.vector_store %arg6[%swap3A_115, %swap3A_116], %select_n3A_114 {strides = array<i32>} : memref<1024x1024xbf16, #tpu.memory_space<vmem>>, vector<1024x128xbf16>,
    %eq3A_118 = arith.constant 7 : i32
    %eq3A_119 = vector.broadcast %eq3A_118 : i32 to vector<1024x1xi32>
    %eq3A_120 = arith.cmpi eq, %get3A_38, %eq3A_119 : vector<1024x1xi32>
    %jit3A_121 = arith.constant 0 : i32
    %convert_element_type3A_122 = arith.sitofp %jit3A_121 : i32 to bf16
    %broadcast_in_dim3A_123 = vector.shape_cast %eq3A_120 : vector<1024x1xi1> to vector<1024x1xi1>
    %broadcast_in_dim3A_124 = vector.broadcast %broadcast_in_dim3A_123 : vector<1024x1xi1> to vector<1024x128xi1>
    %broadcast_in_dim3A_125 = vector.broadcast %convert_element_type3A_122 : bf16 to vector<1024x128xbf16>
    %select_n3A_126 = arith.select %broadcast_in_dim3A_124, %convert_element_type3A, %broadcast_in_dim3A_125 : vector<1024x128xi1>, vector<1024x128xbf16>
    %swap3A_127 = arith.constant 0 : index
    %swap3A_128 = arith.constant 896 : index
    %swap3A_129 = vector.load %arg6[%swap3A_127, %swap3A_128] : memref<1024x1024xbf16, #tpu.memory_space<vmem>>, vector<1024x128xbf16>
    tpu.vector_store %arg6[%swap3A_127, %swap3A_128], %select_n3A_126 {strides = array<i32>} : memref<1024x1024xbf16, #tpu.memory_space<vmem>>, vector<1024x128xbf16>,
    %iota3A = tpu.iota {dimensions = array<i32: 1>} : vector<1024x8xi32>
    %eq3A_130 = vector.broadcast %get3A_38 : vector<1024x1xi32> to vector<1024x8xi32>
    %eq3A_131 = arith.cmpi eq, %eq3A_130, %iota3A : vector<1024x8xi32>
    %convert_element_type3A_132 = arith.extui %eq3A_131 : vector<1024x8xi1> to vector<1024x8xi32>
    %convert_element_type3A_133 = arith.sitofp %convert_element_type3A_132 : vector<1024x8xi32> to vector<1024x8xf32>
    %convert_element_type3A_134 = arith.truncf %convert_element_type3A_133 : vector<1024x8xf32> to vector<1024x8xbf16>
    %swap3A_135 = arith.constant 0 : index
    %swap3A_136 = arith.constant 0 : index
    %swap3A_137 = vector.load %arg7[%swap3A_135, %swap3A_136] : memref<1024x8xbf16, #tpu.memory_space<vmem>>, vector<1024x8xbf16>
    tpu.vector_store %arg7[%swap3A_135, %swap3A_136], %convert_element_type3A_134 {strides = array<i32>} : memref<1024x8xbf16, #tpu.memory_space<vmem>>, vector<1024x8xbf16>,
    return
  }
}

module attributes {stable_mosaic.version = 14 : i64} {
  func.func @body(%arg0: i32, %arg1: memref<1024x1024xbf16, #tpu.memory_space<vmem>>, %arg2: memref<8x1024xf32, #tpu.memory_space<vmem>>, %arg3: memref<1024x8xbf16, #tpu.memory_space<vmem>>, %arg4: memref<8x100001x128xbf16, #tpu.memory_space<any>>, %arg5: memref<1024x100001xbf16, #tpu.memory_space<any>>, %arg6: memref<4x8x1024x128xbf16, #tpu.memory_space<vmem>>, %arg7: memref<4x1024x1024xbf16, #tpu.memory_space<vmem>>, %arg8: memref<4x8x!tpu.dma_semaphore, #tpu.memory_space<semaphore_mem>>, %arg9: memref<4x8x!tpu.dma_semaphore, #tpu.memory_space<semaphore_mem>>) attributes {dimension_semantics = [#tpu.dimension_semantics<arbitrary>], iteration_bounds = array<i64: 97>, scalar_prefetch = 0 : i64, scratch_operands = 4 : i64, tpu.core_type = #tpu.core_type<tc>, window_params = [{pipeline_mode = #tpu.pipeline_mode<synchronous>, transform_indices = @transform_0, window_bounds = array<i64: 1024, 1024>}, {transform_indices = @transform_1, window_bounds = array<i64: 8, 1024>}, {pipeline_mode = #tpu.pipeline_mode<synchronous>, transform_indices = @transform_2, window_bounds = array<i64: 1024, 8>}, {}, {}]} {
    %eq3A = arith.constant 0 : i32
    %eq3A_0 = arith.cmpi eq, %arg0, %eq3A : i32
    %convert_element_type3A = arith.extui %eq3A_0 : i1 to i32
    %cond3A = arith.constant 0 : i32
    %cond3A_1 = arith.cmpi ne, %convert_element_type3A, %cond3A : i32
    scf.if %cond3A_1 {
      %rem3A_286 = arith.constant 0 : i32
      %rem3A_287 = arith.constant 4 : i32
      %rem3A_288 = arith.remsi %rem3A_286, %rem3A_287 : i32
      %dma_start3A_289 = arith.constant 0 : i32
      %dma_start3A_290 = arith.constant 0 : i32
      %dma_start3A_291 = arith.constant 0 : i32
      %dma_start3A_292 = tpu.memref_slice %arg8[%rem3A_288, %dma_start3A_291] : memref<4x8x!tpu.dma_semaphore, #tpu.memory_space<semaphore_mem>> -> memref<1x1x!tpu.dma_semaphore, #tpu.memory_space<semaphore_mem>>
      %dma_start3A_293 = tpu.memref_squeeze %dma_start3A_292 : memref<1x1x!tpu.dma_semaphore, #tpu.memory_space<semaphore_mem>> -> memref<!tpu.dma_semaphore, #tpu.memory_space<semaphore_mem>>
      %dma_start3A_294 = arith.constant 0 : i32
      %dma_start3A_295 = arith.constant 0 : i32
      %dma_start3A_296 = tpu.memref_slice %arg6[%rem3A_288, %dma_start3A_290, %dma_start3A_294, %dma_start3A_295] : memref<4x8x1024x128xbf16, #tpu.memory_space<vmem>> -> memref<1x1x1024x128xbf16, #tpu.memory_space<vmem>>
      %dma_start3A_297 = tpu.memref_squeeze %dma_start3A_296 : memref<1x1x1024x128xbf16, #tpu.memory_space<vmem>> -> memref<1024x128xbf16, #tpu.memory_space<vmem>>
      %dma_start3A_298 = arith.constant 0 : i32
      %dma_start3A_299 = arith.constant 0 : i32
      %dma_start3A_300 = tpu.memref_slice %arg4[%dma_start3A_289, %dma_start3A_298, %dma_start3A_299] : memref<8x100001x128xbf16, #tpu.memory_space<any>> -> memref<1x1024x128xbf16, #tpu.memory_space<any>>
      %dma_start3A_301 = tpu.memref_squeeze %dma_start3A_300 : memref<1x1024x128xbf16, #tpu.memory_space<any>> -> memref<1024x128xbf16, #tpu.memory_space<any>>
      tpu.enqueue_dma source(%dma_start3A_301 : memref<1024x128xbf16, #tpu.memory_space<any>>) target(%dma_start3A_297 : memref<1024x128xbf16, #tpu.memory_space<vmem>>) target_semaphore(%dma_start3A_293 : memref<!tpu.dma_semaphore, #tpu.memory_space<semaphore_mem>>)
      %dma_start3A_302 = arith.constant 1 : i32
      %dma_start3A_303 = arith.constant 1 : i32
      %dma_start3A_304 = arith.constant 1 : i32
      %dma_start3A_305 = tpu.memref_slice %arg8[%rem3A_288, %dma_start3A_304] : memref<4x8x!tpu.dma_semaphore, #tpu.memory_space<semaphore_mem>> -> memref<1x1x!tpu.dma_semaphore, #tpu.memory_space<semaphore_mem>>
      %dma_start3A_306 = tpu.memref_squeeze %dma_start3A_305 : memref<1x1x!tpu.dma_semaphore, #tpu.memory_space<semaphore_mem>> -> memref<!tpu.dma_semaphore, #tpu.memory_space<semaphore_mem>>
      %dma_start3A_307 = arith.constant 0 : i32
      %dma_start3A_308 = arith.constant 0 : i32
      %dma_start3A_309 = tpu.memref_slice %arg6[%rem3A_288, %dma_start3A_303, %dma_start3A_307, %dma_start3A_308] : memref<4x8x1024x128xbf16, #tpu.memory_space<vmem>> -> memref<1x1x1024x128xbf16, #tpu.memory_space<vmem>>
      %dma_start3A_310 = tpu.memref_squeeze %dma_start3A_309 : memref<1x1x1024x128xbf16, #tpu.memory_space<vmem>> -> memref<1024x128xbf16, #tpu.memory_space<vmem>>
      %dma_start3A_311 = arith.constant 0 : i32
      %dma_start3A_312 = arith.constant 0 : i32
      %dma_start3A_313 = tpu.memref_slice %arg4[%dma_start3A_302, %dma_start3A_311, %dma_start3A_312] : memref<8x100001x128xbf16, #tpu.memory_space<any>> -> memref<1x1024x128xbf16, #tpu.memory_space<any>>
      %dma_start3A_314 = tpu.memref_squeeze %dma_start3A_313 : memref<1x1024x128xbf16, #tpu.memory_space<any>> -> memref<1024x128xbf16, #tpu.memory_space<any>>
      tpu.enqueue_dma source(%dma_start3A_314 : memref<1024x128xbf16, #tpu.memory_space<any>>) target(%dma_start3A_310 : memref<1024x128xbf16, #tpu.memory_space<vmem>>) target_semaphore(%dma_start3A_306 : memref<!tpu.dma_semaphore, #tpu.memory_space<semaphore_mem>>)
      %dma_start3A_315 = arith.constant 2 : i32
      %dma_start3A_316 = arith.constant 2 : i32
      %dma_start3A_317 = arith.constant 2 : i32
      %dma_start3A_318 = tpu.memref_slice %arg8[%rem3A_288, %dma_start3A_317] : memref<4x8x!tpu.dma_semaphore, #tpu.memory_space<semaphore_mem>> -> memref<1x1x!tpu.dma_semaphore, #tpu.memory_space<semaphore_mem>>
      %dma_start3A_319 = tpu.memref_squeeze %dma_start3A_318 : memref<1x1x!tpu.dma_semaphore, #tpu.memory_space<semaphore_mem>> -> memref<!tpu.dma_semaphore, #tpu.memory_space<semaphore_mem>>
      %dma_start3A_320 = arith.constant 0 : i32
      %dma_start3A_321 = arith.constant 0 : i32
      %dma_start3A_322 = tpu.memref_slice %arg6[%rem3A_288, %dma_start3A_316, %dma_start3A_320, %dma_start3A_321] : memref<4x8x1024x128xbf16, #tpu.memory_space<vmem>> -> memref<1x1x1024x128xbf16, #tpu.memory_space<vmem>>
      %dma_start3A_323 = tpu.memref_squeeze %dma_start3A_322 : memref<1x1x1024x128xbf16, #tpu.memory_space<vmem>> -> memref<1024x128xbf16, #tpu.memory_space<vmem>>
      %dma_start3A_324 = arith.constant 0 : i32
      %dma_start3A_325 = arith.constant 0 : i32
      %dma_start3A_326 = tpu.memref_slice %arg4[%dma_start3A_315, %dma_start3A_324, %dma_start3A_325] : memref<8x100001x128xbf16, #tpu.memory_space<any>> -> memref<1x1024x128xbf16, #tpu.memory_space<any>>
      %dma_start3A_327 = tpu.memref_squeeze %dma_start3A_326 : memref<1x1024x128xbf16, #tpu.memory_space<any>> -> memref<1024x128xbf16, #tpu.memory_space<any>>
      tpu.enqueue_dma source(%dma_start3A_327 : memref<1024x128xbf16, #tpu.memory_space<any>>) target(%dma_start3A_323 : memref<1024x128xbf16, #tpu.memory_space<vmem>>) target_semaphore(%dma_start3A_319 : memref<!tpu.dma_semaphore, #tpu.memory_space<semaphore_mem>>)
      %dma_start3A_328 = arith.constant 3 : i32
      %dma_start3A_329 = arith.constant 3 : i32
      %dma_start3A_330 = arith.constant 3 : i32
      %dma_start3A_331 = tpu.memref_slice %arg8[%rem3A_288, %dma_start3A_330] : memref<4x8x!tpu.dma_semaphore, #tpu.memory_space<semaphore_mem>> -> memref<1x1x!tpu.dma_semaphore, #tpu.memory_space<semaphore_mem>>
      %dma_start3A_332 = tpu.memref_squeeze %dma_start3A_331 : memref<1x1x!tpu.dma_semaphore, #tpu.memory_space<semaphore_mem>> -> memref<!tpu.dma_semaphore, #tpu.memory_space<semaphore_mem>>
      %dma_start3A_333 = arith.constant 0 : i32
      %dma_start3A_334 = arith.constant 0 : i32
      %dma_start3A_335 = tpu.memref_slice %arg6[%rem3A_288, %dma_start3A_329, %dma_start3A_333, %dma_start3A_334] : memref<4x8x1024x128xbf16, #tpu.memory_space<vmem>> -> memref<1x1x1024x128xbf16, #tpu.memory_space<vmem>>
      %dma_start3A_336 = tpu.memref_squeeze %dma_start3A_335 : memref<1x1x1024x128xbf16, #tpu.memory_space<vmem>> -> memref<1024x128xbf16, #tpu.memory_space<vmem>>
      %dma_start3A_337 = arith.constant 0 : i32
      %dma_start3A_338 = arith.constant 0 : i32
      %dma_start3A_339 = tpu.memref_slice %arg4[%dma_start3A_328, %dma_start3A_337, %dma_start3A_338] : memref<8x100001x128xbf16, #tpu.memory_space<any>> -> memref<1x1024x128xbf16, #tpu.memory_space<any>>
      %dma_start3A_340 = tpu.memref_squeeze %dma_start3A_339 : memref<1x1024x128xbf16, #tpu.memory_space<any>> -> memref<1024x128xbf16, #tpu.memory_space<any>>
      tpu.enqueue_dma source(%dma_start3A_340 : memref<1024x128xbf16, #tpu.memory_space<any>>) target(%dma_start3A_336 : memref<1024x128xbf16, #tpu.memory_space<vmem>>) target_semaphore(%dma_start3A_332 : memref<!tpu.dma_semaphore, #tpu.memory_space<semaphore_mem>>)
      %dma_start3A_341 = arith.constant 4 : i32
      %dma_start3A_342 = arith.constant 4 : i32
      %dma_start3A_343 = arith.constant 4 : i32
      %dma_start3A_344 = tpu.memref_slice %arg8[%rem3A_288, %dma_start3A_343] : memref<4x8x!tpu.dma_semaphore, #tpu.memory_space<semaphore_mem>> -> memref<1x1x!tpu.dma_semaphore, #tpu.memory_space<semaphore_mem>>
      %dma_start3A_345 = tpu.memref_squeeze %dma_start3A_344 : memref<1x1x!tpu.dma_semaphore, #tpu.memory_space<semaphore_mem>> -> memref<!tpu.dma_semaphore, #tpu.memory_space<semaphore_mem>>
      %dma_start3A_346 = arith.constant 0 : i32
      %dma_start3A_347 = arith.constant 0 : i32
      %dma_start3A_348 = tpu.memref_slice %arg6[%rem3A_288, %dma_start3A_342, %dma_start3A_346, %dma_start3A_347] : memref<4x8x1024x128xbf16, #tpu.memory_space<vmem>> -> memref<1x1x1024x128xbf16, #tpu.memory_space<vmem>>
      %dma_start3A_349 = tpu.memref_squeeze %dma_start3A_348 : memref<1x1x1024x128xbf16, #tpu.memory_space<vmem>> -> memref<1024x128xbf16, #tpu.memory_space<vmem>>
      %dma_start3A_350 = arith.constant 0 : i32
      %dma_start3A_351 = arith.constant 0 : i32
      %dma_start3A_352 = tpu.memref_slice %arg4[%dma_start3A_341, %dma_start3A_350, %dma_start3A_351] : memref<8x100001x128xbf16, #tpu.memory_space<any>> -> memref<1x1024x128xbf16, #tpu.memory_space<any>>
      %dma_start3A_353 = tpu.memref_squeeze %dma_start3A_352 : memref<1x1024x128xbf16, #tpu.memory_space<any>> -> memref<1024x128xbf16, #tpu.memory_space<any>>
      tpu.enqueue_dma source(%dma_start3A_353 : memref<1024x128xbf16, #tpu.memory_space<any>>) target(%dma_start3A_349 : memref<1024x128xbf16, #tpu.memory_space<vmem>>) target_semaphore(%dma_start3A_345 : memref<!tpu.dma_semaphore, #tpu.memory_space<semaphore_mem>>)
      %dma_start3A_354 = arith.constant 5 : i32
      %dma_start3A_355 = arith.constant 5 : i32
      %dma_start3A_356 = arith.constant 5 : i32
      %dma_start3A_357 = tpu.memref_slice %arg8[%rem3A_288, %dma_start3A_356] : memref<4x8x!tpu.dma_semaphore, #tpu.memory_space<semaphore_mem>> -> memref<1x1x!tpu.dma_semaphore, #tpu.memory_space<semaphore_mem>>
      %dma_start3A_358 = tpu.memref_squeeze %dma_start3A_357 : memref<1x1x!tpu.dma_semaphore, #tpu.memory_space<semaphore_mem>> -> memref<!tpu.dma_semaphore, #tpu.memory_space<semaphore_mem>>
      %dma_start3A_359 = arith.constant 0 : i32
      %dma_start3A_360 = arith.constant 0 : i32
      %dma_start3A_361 = tpu.memref_slice %arg6[%rem3A_288, %dma_start3A_355, %dma_start3A_359, %dma_start3A_360] : memref<4x8x1024x128xbf16, #tpu.memory_space<vmem>> -> memref<1x1x1024x128xbf16, #tpu.memory_space<vmem>>
      %dma_start3A_362 = tpu.memref_squeeze %dma_start3A_361 : memref<1x1x1024x128xbf16, #tpu.memory_space<vmem>> -> memref<1024x128xbf16, #tpu.memory_space<vmem>>
      %dma_start3A_363 = arith.constant 0 : i32
      %dma_start3A_364 = arith.constant 0 : i32
      %dma_start3A_365 = tpu.memref_slice %arg4[%dma_start3A_354, %dma_start3A_363, %dma_start3A_364] : memref<8x100001x128xbf16, #tpu.memory_space<any>> -> memref<1x1024x128xbf16, #tpu.memory_space<any>>
      %dma_start3A_366 = tpu.memref_squeeze %dma_start3A_365 : memref<1x1024x128xbf16, #tpu.memory_space<any>> -> memref<1024x128xbf16, #tpu.memory_space<any>>
      tpu.enqueue_dma source(%dma_start3A_366 : memref<1024x128xbf16, #tpu.memory_space<any>>) target(%dma_start3A_362 : memref<1024x128xbf16, #tpu.memory_space<vmem>>) target_semaphore(%dma_start3A_358 : memref<!tpu.dma_semaphore, #tpu.memory_space<semaphore_mem>>)
      %dma_start3A_367 = arith.constant 6 : i32
      %dma_start3A_368 = arith.constant 6 : i32
      %dma_start3A_369 = arith.constant 6 : i32
      %dma_start3A_370 = tpu.memref_slice %arg8[%rem3A_288, %dma_start3A_369] : memref<4x8x!tpu.dma_semaphore, #tpu.memory_space<semaphore_mem>> -> memref<1x1x!tpu.dma_semaphore, #tpu.memory_space<semaphore_mem>>
      %dma_start3A_371 = tpu.memref_squeeze %dma_start3A_370 : memref<1x1x!tpu.dma_semaphore, #tpu.memory_space<semaphore_mem>> -> memref<!tpu.dma_semaphore, #tpu.memory_space<semaphore_mem>>
      %dma_start3A_372 = arith.constant 0 : i32
      %dma_start3A_373 = arith.constant 0 : i32
      %dma_start3A_374 = tpu.memref_slice %arg6[%rem3A_288, %dma_start3A_368, %dma_start3A_372, %dma_start3A_373] : memref<4x8x1024x128xbf16, #tpu.memory_space<vmem>> -> memref<1x1x1024x128xbf16, #tpu.memory_space<vmem>>
      %dma_start3A_375 = tpu.memref_squeeze %dma_start3A_374 : memref<1x1x1024x128xbf16, #tpu.memory_space<vmem>> -> memref<1024x128xbf16, #tpu.memory_space<vmem>>
      %dma_start3A_376 = arith.constant 0 : i32
      %dma_start3A_377 = arith.constant 0 : i32
      %dma_start3A_378 = tpu.memref_slice %arg4[%dma_start3A_367, %dma_start3A_376, %dma_start3A_377] : memref<8x100001x128xbf16, #tpu.memory_space<any>> -> memref<1x1024x128xbf16, #tpu.memory_space<any>>
      %dma_start3A_379 = tpu.memref_squeeze %dma_start3A_378 : memref<1x1024x128xbf16, #tpu.memory_space<any>> -> memref<1024x128xbf16, #tpu.memory_space<any>>
      tpu.enqueue_dma source(%dma_start3A_379 : memref<1024x128xbf16, #tpu.memory_space<any>>) target(%dma_start3A_375 : memref<1024x128xbf16, #tpu.memory_space<vmem>>) target_semaphore(%dma_start3A_371 : memref<!tpu.dma_semaphore, #tpu.memory_space<semaphore_mem>>)
      %dma_start3A_380 = arith.constant 7 : i32
      %dma_start3A_381 = arith.constant 7 : i32
      %dma_start3A_382 = arith.constant 7 : i32
      %dma_start3A_383 = tpu.memref_slice %arg8[%rem3A_288, %dma_start3A_382] : memref<4x8x!tpu.dma_semaphore, #tpu.memory_space<semaphore_mem>> -> memref<1x1x!tpu.dma_semaphore, #tpu.memory_space<semaphore_mem>>
      %dma_start3A_384 = tpu.memref_squeeze %dma_start3A_383 : memref<1x1x!tpu.dma_semaphore, #tpu.memory_space<semaphore_mem>> -> memref<!tpu.dma_semaphore, #tpu.memory_space<semaphore_mem>>
      %dma_start3A_385 = arith.constant 0 : i32
      %dma_start3A_386 = arith.constant 0 : i32
      %dma_start3A_387 = tpu.memref_slice %arg6[%rem3A_288, %dma_start3A_381, %dma_start3A_385, %dma_start3A_386] : memref<4x8x1024x128xbf16, #tpu.memory_space<vmem>> -> memref<1x1x1024x128xbf16, #tpu.memory_space<vmem>>
      %dma_start3A_388 = tpu.memref_squeeze %dma_start3A_387 : memref<1x1x1024x128xbf16, #tpu.memory_space<vmem>> -> memref<1024x128xbf16, #tpu.memory_space<vmem>>
      %dma_start3A_389 = arith.constant 0 : i32
      %dma_start3A_390 = arith.constant 0 : i32
      %dma_start3A_391 = tpu.memref_slice %arg4[%dma_start3A_380, %dma_start3A_389, %dma_start3A_390] : memref<8x100001x128xbf16, #tpu.memory_space<any>> -> memref<1x1024x128xbf16, #tpu.memory_space<any>>
      %dma_start3A_392 = tpu.memref_squeeze %dma_start3A_391 : memref<1x1024x128xbf16, #tpu.memory_space<any>> -> memref<1024x128xbf16, #tpu.memory_space<any>>
      tpu.enqueue_dma source(%dma_start3A_392 : memref<1024x128xbf16, #tpu.memory_space<any>>) target(%dma_start3A_388 : memref<1024x128xbf16, #tpu.memory_space<vmem>>) target_semaphore(%dma_start3A_384 : memref<!tpu.dma_semaphore, #tpu.memory_space<semaphore_mem>>)
      %rem3A_393 = arith.constant 1 : i32
      %rem3A_394 = arith.constant 4 : i32
      %rem3A_395 = arith.remsi %rem3A_393, %rem3A_394 : i32
      %dma_start3A_396 = arith.constant 0 : i32
      %dma_start3A_397 = arith.constant 0 : i32
      %dma_start3A_398 = arith.constant 0 : i32
      %dma_start3A_399 = tpu.memref_slice %arg8[%rem3A_395, %dma_start3A_398] : memref<4x8x!tpu.dma_semaphore, #tpu.memory_space<semaphore_mem>> -> memref<1x1x!tpu.dma_semaphore, #tpu.memory_space<semaphore_mem>>
      %dma_start3A_400 = tpu.memref_squeeze %dma_start3A_399 : memref<1x1x!tpu.dma_semaphore, #tpu.memory_space<semaphore_mem>> -> memref<!tpu.dma_semaphore, #tpu.memory_space<semaphore_mem>>
      %dma_start3A_401 = arith.constant 0 : i32
      %dma_start3A_402 = arith.constant 0 : i32
      %dma_start3A_403 = tpu.memref_slice %arg6[%rem3A_395, %dma_start3A_397, %dma_start3A_401, %dma_start3A_402] : memref<4x8x1024x128xbf16, #tpu.memory_space<vmem>> -> memref<1x1x1024x128xbf16, #tpu.memory_space<vmem>>
      %dma_start3A_404 = tpu.memref_squeeze %dma_start3A_403 : memref<1x1x1024x128xbf16, #tpu.memory_space<vmem>> -> memref<1024x128xbf16, #tpu.memory_space<vmem>>
      %dma_start3A_405 = arith.constant 1024 : i32
      %dma_start3A_406 = arith.constant 0 : i32
      %dma_start3A_407 = tpu.memref_slice %arg4[%dma_start3A_396, %dma_start3A_405, %dma_start3A_406] : memref<8x100001x128xbf16, #tpu.memory_space<any>> -> memref<1x1024x128xbf16, #tpu.memory_space<any>>
      %dma_start3A_408 = tpu.memref_squeeze %dma_start3A_407 : memref<1x1024x128xbf16, #tpu.memory_space<any>> -> memref<1024x128xbf16, #tpu.memory_space<any>>
      tpu.enqueue_dma source(%dma_start3A_408 : memref<1024x128xbf16, #tpu.memory_space<any>>) target(%dma_start3A_404 : memref<1024x128xbf16, #tpu.memory_space<vmem>>) target_semaphore(%dma_start3A_400 : memref<!tpu.dma_semaphore, #tpu.memory_space<semaphore_mem>>)
      %dma_start3A_409 = arith.constant 1 : i32
      %dma_start3A_410 = arith.constant 1 : i32
      %dma_start3A_411 = arith.constant 1 : i32
      %dma_start3A_412 = tpu.memref_slice %arg8[%rem3A_395, %dma_start3A_411] : memref<4x8x!tpu.dma_semaphore, #tpu.memory_space<semaphore_mem>> -> memref<1x1x!tpu.dma_semaphore, #tpu.memory_space<semaphore_mem>>
      %dma_start3A_413 = tpu.memref_squeeze %dma_start3A_412 : memref<1x1x!tpu.dma_semaphore, #tpu.memory_space<semaphore_mem>> -> memref<!tpu.dma_semaphore, #tpu.memory_space<semaphore_mem>>
      %dma_start3A_414 = arith.constant 0 : i32
      %dma_start3A_415 = arith.constant 0 : i32
      %dma_start3A_416 = tpu.memref_slice %arg6[%rem3A_395, %dma_start3A_410, %dma_start3A_414, %dma_start3A_415] : memref<4x8x1024x128xbf16, #tpu.memory_space<vmem>> -> memref<1x1x1024x128xbf16, #tpu.memory_space<vmem>>
      %dma_start3A_417 = tpu.memref_squeeze %dma_start3A_416 : memref<1x1x1024x128xbf16, #tpu.memory_space<vmem>> -> memref<1024x128xbf16, #tpu.memory_space<vmem>>
      %dma_start3A_418 = arith.constant 1024 : i32
      %dma_start3A_419 = arith.constant 0 : i32
      %dma_start3A_420 = tpu.memref_slice %arg4[%dma_start3A_409, %dma_start3A_418, %dma_start3A_419] : memref<8x100001x128xbf16, #tpu.memory_space<any>> -> memref<1x1024x128xbf16, #tpu.memory_space<any>>
      %dma_start3A_421 = tpu.memref_squeeze %dma_start3A_420 : memref<1x1024x128xbf16, #tpu.memory_space<any>> -> memref<1024x128xbf16, #tpu.memory_space<any>>
      tpu.enqueue_dma source(%dma_start3A_421 : memref<1024x128xbf16, #tpu.memory_space<any>>) target(%dma_start3A_417 : memref<1024x128xbf16, #tpu.memory_space<vmem>>) target_semaphore(%dma_start3A_413 : memref<!tpu.dma_semaphore, #tpu.memory_space<semaphore_mem>>)
      %dma_start3A_422 = arith.constant 2 : i32
      %dma_start3A_423 = arith.constant 2 : i32
      %dma_start3A_424 = arith.constant 2 : i32
      %dma_start3A_425 = tpu.memref_slice %arg8[%rem3A_395, %dma_start3A_424] : memref<4x8x!tpu.dma_semaphore, #tpu.memory_space<semaphore_mem>> -> memref<1x1x!tpu.dma_semaphore, #tpu.memory_space<semaphore_mem>>
      %dma_start3A_426 = tpu.memref_squeeze %dma_start3A_425 : memref<1x1x!tpu.dma_semaphore, #tpu.memory_space<semaphore_mem>> -> memref<!tpu.dma_semaphore, #tpu.memory_space<semaphore_mem>>
      %dma_start3A_427 = arith.constant 0 : i32
      %dma_start3A_428 = arith.constant 0 : i32
      %dma_start3A_429 = tpu.memref_slice %arg6[%rem3A_395, %dma_start3A_423, %dma_start3A_427, %dma_start3A_428] : memref<4x8x1024x128xbf16, #tpu.memory_space<vmem>> -> memref<1x1x1024x128xbf16, #tpu.memory_space<vmem>>
      %dma_start3A_430 = tpu.memref_squeeze %dma_start3A_429 : memref<1x1x1024x128xbf16, #tpu.memory_space<vmem>> -> memref<1024x128xbf16, #tpu.memory_space<vmem>>
      %dma_start3A_431 = arith.constant 1024 : i32
      %dma_start3A_432 = arith.constant 0 : i32
      %dma_start3A_433 = tpu.memref_slice %arg4[%dma_start3A_422, %dma_start3A_431, %dma_start3A_432] : memref<8x100001x128xbf16, #tpu.memory_space<any>> -> memref<1x1024x128xbf16, #tpu.memory_space<any>>
      %dma_start3A_434 = tpu.memref_squeeze %dma_start3A_433 : memref<1x1024x128xbf16, #tpu.memory_space<any>> -> memref<1024x128xbf16, #tpu.memory_space<any>>
      tpu.enqueue_dma source(%dma_start3A_434 : memref<1024x128xbf16, #tpu.memory_space<any>>) target(%dma_start3A_430 : memref<1024x128xbf16, #tpu.memory_space<vmem>>) target_semaphore(%dma_start3A_426 : memref<!tpu.dma_semaphore, #tpu.memory_space<semaphore_mem>>)
      %dma_start3A_435 = arith.constant 3 : i32
      %dma_start3A_436 = arith.constant 3 : i32
      %dma_start3A_437 = arith.constant 3 : i32
      %dma_start3A_438 = tpu.memref_slice %arg8[%rem3A_395, %dma_start3A_437] : memref<4x8x!tpu.dma_semaphore, #tpu.memory_space<semaphore_mem>> -> memref<1x1x!tpu.dma_semaphore, #tpu.memory_space<semaphore_mem>>
      %dma_start3A_439 = tpu.memref_squeeze %dma_start3A_438 : memref<1x1x!tpu.dma_semaphore, #tpu.memory_space<semaphore_mem>> -> memref<!tpu.dma_semaphore, #tpu.memory_space<semaphore_mem>>
      %dma_start3A_440 = arith.constant 0 : i32
      %dma_start3A_441 = arith.constant 0 : i32
      %dma_start3A_442 = tpu.memref_slice %arg6[%rem3A_395, %dma_start3A_436, %dma_start3A_440, %dma_start3A_441] : memref<4x8x1024x128xbf16, #tpu.memory_space<vmem>> -> memref<1x1x1024x128xbf16, #tpu.memory_space<vmem>>
      %dma_start3A_443 = tpu.memref_squeeze %dma_start3A_442 : memref<1x1x1024x128xbf16, #tpu.memory_space<vmem>> -> memref<1024x128xbf16, #tpu.memory_space<vmem>>
      %dma_start3A_444 = arith.constant 1024 : i32
      %dma_start3A_445 = arith.constant 0 : i32
      %dma_start3A_446 = tpu.memref_slice %arg4[%dma_start3A_435, %dma_start3A_444, %dma_start3A_445] : memref<8x100001x128xbf16, #tpu.memory_space<any>> -> memref<1x1024x128xbf16, #tpu.memory_space<any>>
      %dma_start3A_447 = tpu.memref_squeeze %dma_start3A_446 : memref<1x1024x128xbf16, #tpu.memory_space<any>> -> memref<1024x128xbf16, #tpu.memory_space<any>>
      tpu.enqueue_dma source(%dma_start3A_447 : memref<1024x128xbf16, #tpu.memory_space<any>>) target(%dma_start3A_443 : memref<1024x128xbf16, #tpu.memory_space<vmem>>) target_semaphore(%dma_start3A_439 : memref<!tpu.dma_semaphore, #tpu.memory_space<semaphore_mem>>)
      %dma_start3A_448 = arith.constant 4 : i32
      %dma_start3A_449 = arith.constant 4 : i32
      %dma_start3A_450 = arith.constant 4 : i32
      %dma_start3A_451 = tpu.memref_slice %arg8[%rem3A_395, %dma_start3A_450] : memref<4x8x!tpu.dma_semaphore, #tpu.memory_space<semaphore_mem>> -> memref<1x1x!tpu.dma_semaphore, #tpu.memory_space<semaphore_mem>>
      %dma_start3A_452 = tpu.memref_squeeze %dma_start3A_451 : memref<1x1x!tpu.dma_semaphore, #tpu.memory_space<semaphore_mem>> -> memref<!tpu.dma_semaphore, #tpu.memory_space<semaphore_mem>>
      %dma_start3A_453 = arith.constant 0 : i32
      %dma_start3A_454 = arith.constant 0 : i32
      %dma_start3A_455 = tpu.memref_slice %arg6[%rem3A_395, %dma_start3A_449, %dma_start3A_453, %dma_start3A_454] : memref<4x8x1024x128xbf16, #tpu.memory_space<vmem>> -> memref<1x1x1024x128xbf16, #tpu.memory_space<vmem>>
      %dma_start3A_456 = tpu.memref_squeeze %dma_start3A_455 : memref<1x1x1024x128xbf16, #tpu.memory_space<vmem>> -> memref<1024x128xbf16, #tpu.memory_space<vmem>>
      %dma_start3A_457 = arith.constant 1024 : i32
      %dma_start3A_458 = arith.constant 0 : i32
      %dma_start3A_459 = tpu.memref_slice %arg4[%dma_start3A_448, %dma_start3A_457, %dma_start3A_458] : memref<8x100001x128xbf16, #tpu.memory_space<any>> -> memref<1x1024x128xbf16, #tpu.memory_space<any>>
      %dma_start3A_460 = tpu.memref_squeeze %dma_start3A_459 : memref<1x1024x128xbf16, #tpu.memory_space<any>> -> memref<1024x128xbf16, #tpu.memory_space<any>>
      tpu.enqueue_dma source(%dma_start3A_460 : memref<1024x128xbf16, #tpu.memory_space<any>>) target(%dma_start3A_456 : memref<1024x128xbf16, #tpu.memory_space<vmem>>) target_semaphore(%dma_start3A_452 : memref<!tpu.dma_semaphore, #tpu.memory_space<semaphore_mem>>)
      %dma_start3A_461 = arith.constant 5 : i32
      %dma_start3A_462 = arith.constant 5 : i32
      %dma_start3A_463 = arith.constant 5 : i32
      %dma_start3A_464 = tpu.memref_slice %arg8[%rem3A_395, %dma_start3A_463] : memref<4x8x!tpu.dma_semaphore, #tpu.memory_space<semaphore_mem>> -> memref<1x1x!tpu.dma_semaphore, #tpu.memory_space<semaphore_mem>>
      %dma_start3A_465 = tpu.memref_squeeze %dma_start3A_464 : memref<1x1x!tpu.dma_semaphore, #tpu.memory_space<semaphore_mem>> -> memref<!tpu.dma_semaphore, #tpu.memory_space<semaphore_mem>>
      %dma_start3A_466 = arith.constant 0 : i32
      %dma_start3A_467 = arith.constant 0 : i32
      %dma_start3A_468 = tpu.memref_slice %arg6[%rem3A_395, %dma_start3A_462, %dma_start3A_466, %dma_start3A_467] : memref<4x8x1024x128xbf16, #tpu.memory_space<vmem>> -> memref<1x1x1024x128xbf16, #tpu.memory_space<vmem>>
      %dma_start3A_469 = tpu.memref_squeeze %dma_start3A_468 : memref<1x1x1024x128xbf16, #tpu.memory_space<vmem>> -> memref<1024x128xbf16, #tpu.memory_space<vmem>>
      %dma_start3A_470 = arith.constant 1024 : i32
      %dma_start3A_471 = arith.constant 0 : i32
      %dma_start3A_472 = tpu.memref_slice %arg4[%dma_start3A_461, %dma_start3A_470, %dma_start3A_471] : memref<8x100001x128xbf16, #tpu.memory_space<any>> -> memref<1x1024x128xbf16, #tpu.memory_space<any>>
      %dma_start3A_473 = tpu.memref_squeeze %dma_start3A_472 : memref<1x1024x128xbf16, #tpu.memory_space<any>> -> memref<1024x128xbf16, #tpu.memory_space<any>>
      tpu.enqueue_dma source(%dma_start3A_473 : memref<1024x128xbf16, #tpu.memory_space<any>>) target(%dma_start3A_469 : memref<1024x128xbf16, #tpu.memory_space<vmem>>) target_semaphore(%dma_start3A_465 : memref<!tpu.dma_semaphore, #tpu.memory_space<semaphore_mem>>)
      %dma_start3A_474 = arith.constant 6 : i32
      %dma_start3A_475 = arith.constant 6 : i32
      %dma_start3A_476 = arith.constant 6 : i32
      %dma_start3A_477 = tpu.memref_slice %arg8[%rem3A_395, %dma_start3A_476] : memref<4x8x!tpu.dma_semaphore, #tpu.memory_space<semaphore_mem>> -> memref<1x1x!tpu.dma_semaphore, #tpu.memory_space<semaphore_mem>>
      %dma_start3A_478 = tpu.memref_squeeze %dma_start3A_477 : memref<1x1x!tpu.dma_semaphore, #tpu.memory_space<semaphore_mem>> -> memref<!tpu.dma_semaphore, #tpu.memory_space<semaphore_mem>>
      %dma_start3A_479 = arith.constant 0 : i32
      %dma_start3A_480 = arith.constant 0 : i32
      %dma_start3A_481 = tpu.memref_slice %arg6[%rem3A_395, %dma_start3A_475, %dma_start3A_479, %dma_start3A_480] : memref<4x8x1024x128xbf16, #tpu.memory_space<vmem>> -> memref<1x1x1024x128xbf16, #tpu.memory_space<vmem>>
      %dma_start3A_482 = tpu.memref_squeeze %dma_start3A_481 : memref<1x1x1024x128xbf16, #tpu.memory_space<vmem>> -> memref<1024x128xbf16, #tpu.memory_space<vmem>>
      %dma_start3A_483 = arith.constant 1024 : i32
      %dma_start3A_484 = arith.constant 0 : i32
      %dma_start3A_485 = tpu.memref_slice %arg4[%dma_start3A_474, %dma_start3A_483, %dma_start3A_484] : memref<8x100001x128xbf16, #tpu.memory_space<any>> -> memref<1x1024x128xbf16, #tpu.memory_space<any>>
      %dma_start3A_486 = tpu.memref_squeeze %dma_start3A_485 : memref<1x1024x128xbf16, #tpu.memory_space<any>> -> memref<1024x128xbf16, #tpu.memory_space<any>>
      tpu.enqueue_dma source(%dma_start3A_486 : memref<1024x128xbf16, #tpu.memory_space<any>>) target(%dma_start3A_482 : memref<1024x128xbf16, #tpu.memory_space<vmem>>) target_semaphore(%dma_start3A_478 : memref<!tpu.dma_semaphore, #tpu.memory_space<semaphore_mem>>)
      %dma_start3A_487 = arith.constant 7 : i32
      %dma_start3A_488 = arith.constant 7 : i32
      %dma_start3A_489 = arith.constant 7 : i32
      %dma_start3A_490 = tpu.memref_slice %arg8[%rem3A_395, %dma_start3A_489] : memref<4x8x!tpu.dma_semaphore, #tpu.memory_space<semaphore_mem>> -> memref<1x1x!tpu.dma_semaphore, #tpu.memory_space<semaphore_mem>>
      %dma_start3A_491 = tpu.memref_squeeze %dma_start3A_490 : memref<1x1x!tpu.dma_semaphore, #tpu.memory_space<semaphore_mem>> -> memref<!tpu.dma_semaphore, #tpu.memory_space<semaphore_mem>>
      %dma_start3A_492 = arith.constant 0 : i32
      %dma_start3A_493 = arith.constant 0 : i32
      %dma_start3A_494 = tpu.memref_slice %arg6[%rem3A_395, %dma_start3A_488, %dma_start3A_492, %dma_start3A_493] : memref<4x8x1024x128xbf16, #tpu.memory_space<vmem>> -> memref<1x1x1024x128xbf16, #tpu.memory_space<vmem>>
      %dma_start3A_495 = tpu.memref_squeeze %dma_start3A_494 : memref<1x1x1024x128xbf16, #tpu.memory_space<vmem>> -> memref<1024x128xbf16, #tpu.memory_space<vmem>>
      %dma_start3A_496 = arith.constant 1024 : i32
      %dma_start3A_497 = arith.constant 0 : i32
      %dma_start3A_498 = tpu.memref_slice %arg4[%dma_start3A_487, %dma_start3A_496, %dma_start3A_497] : memref<8x100001x128xbf16, #tpu.memory_space<any>> -> memref<1x1024x128xbf16, #tpu.memory_space<any>>
      %dma_start3A_499 = tpu.memref_squeeze %dma_start3A_498 : memref<1x1024x128xbf16, #tpu.memory_space<any>> -> memref<1024x128xbf16, #tpu.memory_space<any>>
      tpu.enqueue_dma source(%dma_start3A_499 : memref<1024x128xbf16, #tpu.memory_space<any>>) target(%dma_start3A_495 : memref<1024x128xbf16, #tpu.memory_space<vmem>>) target_semaphore(%dma_start3A_491 : memref<!tpu.dma_semaphore, #tpu.memory_space<semaphore_mem>>)
      %rem3A_500 = arith.constant 2 : i32
      %rem3A_501 = arith.constant 4 : i32
      %rem3A_502 = arith.remsi %rem3A_500, %rem3A_501 : i32
      %dma_start3A_503 = arith.constant 0 : i32
      %dma_start3A_504 = arith.constant 0 : i32
      %dma_start3A_505 = arith.constant 0 : i32
      %dma_start3A_506 = tpu.memref_slice %arg8[%rem3A_502, %dma_start3A_505] : memref<4x8x!tpu.dma_semaphore, #tpu.memory_space<semaphore_mem>> -> memref<1x1x!tpu.dma_semaphore, #tpu.memory_space<semaphore_mem>>
      %dma_start3A_507 = tpu.memref_squeeze %dma_start3A_506 : memref<1x1x!tpu.dma_semaphore, #tpu.memory_space<semaphore_mem>> -> memref<!tpu.dma_semaphore, #tpu.memory_space<semaphore_mem>>
      %dma_start3A_508 = arith.constant 0 : i32
      %dma_start3A_509 = arith.constant 0 : i32
      %dma_start3A_510 = tpu.memref_slice %arg6[%rem3A_502, %dma_start3A_504, %dma_start3A_508, %dma_start3A_509] : memref<4x8x1024x128xbf16, #tpu.memory_space<vmem>> -> memref<1x1x1024x128xbf16, #tpu.memory_space<vmem>>
      %dma_start3A_511 = tpu.memref_squeeze %dma_start3A_510 : memref<1x1x1024x128xbf16, #tpu.memory_space<vmem>> -> memref<1024x128xbf16, #tpu.memory_space<vmem>>
      %dma_start3A_512 = arith.constant 2048 : i32
      %dma_start3A_513 = arith.constant 0 : i32
      %dma_start3A_514 = tpu.memref_slice %arg4[%dma_start3A_503, %dma_start3A_512, %dma_start3A_513] : memref<8x100001x128xbf16, #tpu.memory_space<any>> -> memref<1x1024x128xbf16, #tpu.memory_space<any>>
      %dma_start3A_515 = tpu.memref_squeeze %dma_start3A_514 : memref<1x1024x128xbf16, #tpu.memory_space<any>> -> memref<1024x128xbf16, #tpu.memory_space<any>>
      tpu.enqueue_dma source(%dma_start3A_515 : memref<1024x128xbf16, #tpu.memory_space<any>>) target(%dma_start3A_511 : memref<1024x128xbf16, #tpu.memory_space<vmem>>) target_semaphore(%dma_start3A_507 : memref<!tpu.dma_semaphore, #tpu.memory_space<semaphore_mem>>)
      %dma_start3A_516 = arith.constant 1 : i32
      %dma_start3A_517 = arith.constant 1 : i32
      %dma_start3A_518 = arith.constant 1 : i32
      %dma_start3A_519 = tpu.memref_slice %arg8[%rem3A_502, %dma_start3A_518] : memref<4x8x!tpu.dma_semaphore, #tpu.memory_space<semaphore_mem>> -> memref<1x1x!tpu.dma_semaphore, #tpu.memory_space<semaphore_mem>>
      %dma_start3A_520 = tpu.memref_squeeze %dma_start3A_519 : memref<1x1x!tpu.dma_semaphore, #tpu.memory_space<semaphore_mem>> -> memref<!tpu.dma_semaphore, #tpu.memory_space<semaphore_mem>>
      %dma_start3A_521 = arith.constant 0 : i32
      %dma_start3A_522 = arith.constant 0 : i32
      %dma_start3A_523 = tpu.memref_slice %arg6[%rem3A_502, %dma_start3A_517, %dma_start3A_521, %dma_start3A_522] : memref<4x8x1024x128xbf16, #tpu.memory_space<vmem>> -> memref<1x1x1024x128xbf16, #tpu.memory_space<vmem>>
      %dma_start3A_524 = tpu.memref_squeeze %dma_start3A_523 : memref<1x1x1024x128xbf16, #tpu.memory_space<vmem>> -> memref<1024x128xbf16, #tpu.memory_space<vmem>>
      %dma_start3A_525 = arith.constant 2048 : i32
      %dma_start3A_526 = arith.constant 0 : i32
      %dma_start3A_527 = tpu.memref_slice %arg4[%dma_start3A_516, %dma_start3A_525, %dma_start3A_526] : memref<8x100001x128xbf16, #tpu.memory_space<any>> -> memref<1x1024x128xbf16, #tpu.memory_space<any>>
      %dma_start3A_528 = tpu.memref_squeeze %dma_start3A_527 : memref<1x1024x128xbf16, #tpu.memory_space<any>> -> memref<1024x128xbf16, #tpu.memory_space<any>>
      tpu.enqueue_dma source(%dma_start3A_528 : memref<1024x128xbf16, #tpu.memory_space<any>>) target(%dma_start3A_524 : memref<1024x128xbf16, #tpu.memory_space<vmem>>) target_semaphore(%dma_start3A_520 : memref<!tpu.dma_semaphore, #tpu.memory_space<semaphore_mem>>)
      %dma_start3A_529 = arith.constant 2 : i32
      %dma_start3A_530 = arith.constant 2 : i32
      %dma_start3A_531 = arith.constant 2 : i32
      %dma_start3A_532 = tpu.memref_slice %arg8[%rem3A_502, %dma_start3A_531] : memref<4x8x!tpu.dma_semaphore, #tpu.memory_space<semaphore_mem>> -> memref<1x1x!tpu.dma_semaphore, #tpu.memory_space<semaphore_mem>>
      %dma_start3A_533 = tpu.memref_squeeze %dma_start3A_532 : memref<1x1x!tpu.dma_semaphore, #tpu.memory_space<semaphore_mem>> -> memref<!tpu.dma_semaphore, #tpu.memory_space<semaphore_mem>>
      %dma_start3A_534 = arith.constant 0 : i32
      %dma_start3A_535 = arith.constant 0 : i32
      %dma_start3A_536 = tpu.memref_slice %arg6[%rem3A_502, %dma_start3A_530, %dma_start3A_534, %dma_start3A_535] : memref<4x8x1024x128xbf16, #tpu.memory_space<vmem>> -> memref<1x1x1024x128xbf16, #tpu.memory_space<vmem>>
      %dma_start3A_537 = tpu.memref_squeeze %dma_start3A_536 : memref<1x1x1024x128xbf16, #tpu.memory_space<vmem>> -> memref<1024x128xbf16, #tpu.memory_space<vmem>>
      %dma_start3A_538 = arith.constant 2048 : i32
      %dma_start3A_539 = arith.constant 0 : i32
      %dma_start3A_540 = tpu.memref_slice %arg4[%dma_start3A_529, %dma_start3A_538, %dma_start3A_539] : memref<8x100001x128xbf16, #tpu.memory_space<any>> -> memref<1x1024x128xbf16, #tpu.memory_space<any>>
      %dma_start3A_541 = tpu.memref_squeeze %dma_start3A_540 : memref<1x1024x128xbf16, #tpu.memory_space<any>> -> memref<1024x128xbf16, #tpu.memory_space<any>>
      tpu.enqueue_dma source(%dma_start3A_541 : memref<1024x128xbf16, #tpu.memory_space<any>>) target(%dma_start3A_537 : memref<1024x128xbf16, #tpu.memory_space<vmem>>) target_semaphore(%dma_start3A_533 : memref<!tpu.dma_semaphore, #tpu.memory_space<semaphore_mem>>)
      %dma_start3A_542 = arith.constant 3 : i32
      %dma_start3A_543 = arith.constant 3 : i32
      %dma_start3A_544 = arith.constant 3 : i32
      %dma_start3A_545 = tpu.memref_slice %arg8[%rem3A_502, %dma_start3A_544] : memref<4x8x!tpu.dma_semaphore, #tpu.memory_space<semaphore_mem>> -> memref<1x1x!tpu.dma_semaphore, #tpu.memory_space<semaphore_mem>>
      %dma_start3A_546 = tpu.memref_squeeze %dma_start3A_545 : memref<1x1x!tpu.dma_semaphore, #tpu.memory_space<semaphore_mem>> -> memref<!tpu.dma_semaphore, #tpu.memory_space<semaphore_mem>>
      %dma_start3A_547 = arith.constant 0 : i32
      %dma_start3A_548 = arith.constant 0 : i32
      %dma_start3A_549 = tpu.memref_slice %arg6[%rem3A_502, %dma_start3A_543, %dma_start3A_547, %dma_start3A_548] : memref<4x8x1024x128xbf16, #tpu.memory_space<vmem>> -> memref<1x1x1024x128xbf16, #tpu.memory_space<vmem>>
      %dma_start3A_550 = tpu.memref_squeeze %dma_start3A_549 : memref<1x1x1024x128xbf16, #tpu.memory_space<vmem>> -> memref<1024x128xbf16, #tpu.memory_space<vmem>>
      %dma_start3A_551 = arith.constant 2048 : i32
      %dma_start3A_552 = arith.constant 0 : i32
      %dma_start3A_553 = tpu.memref_slice %arg4[%dma_start3A_542, %dma_start3A_551, %dma_start3A_552] : memref<8x100001x128xbf16, #tpu.memory_space<any>> -> memref<1x1024x128xbf16, #tpu.memory_space<any>>
      %dma_start3A_554 = tpu.memref_squeeze %dma_start3A_553 : memref<1x1024x128xbf16, #tpu.memory_space<any>> -> memref<1024x128xbf16, #tpu.memory_space<any>>
      tpu.enqueue_dma source(%dma_start3A_554 : memref<1024x128xbf16, #tpu.memory_space<any>>) target(%dma_start3A_550 : memref<1024x128xbf16, #tpu.memory_space<vmem>>) target_semaphore(%dma_start3A_546 : memref<!tpu.dma_semaphore, #tpu.memory_space<semaphore_mem>>)
      %dma_start3A_555 = arith.constant 4 : i32
      %dma_start3A_556 = arith.constant 4 : i32
      %dma_start3A_557 = arith.constant 4 : i32
      %dma_start3A_558 = tpu.memref_slice %arg8[%rem3A_502, %dma_start3A_557] : memref<4x8x!tpu.dma_semaphore, #tpu.memory_space<semaphore_mem>> -> memref<1x1x!tpu.dma_semaphore, #tpu.memory_space<semaphore_mem>>
      %dma_start3A_559 = tpu.memref_squeeze %dma_start3A_558 : memref<1x1x!tpu.dma_semaphore, #tpu.memory_space<semaphore_mem>> -> memref<!tpu.dma_semaphore, #tpu.memory_space<semaphore_mem>>
      %dma_start3A_560 = arith.constant 0 : i32
      %dma_start3A_561 = arith.constant 0 : i32
      %dma_start3A_562 = tpu.memref_slice %arg6[%rem3A_502, %dma_start3A_556, %dma_start3A_560, %dma_start3A_561] : memref<4x8x1024x128xbf16, #tpu.memory_space<vmem>> -> memref<1x1x1024x128xbf16, #tpu.memory_space<vmem>>
      %dma_start3A_563 = tpu.memref_squeeze %dma_start3A_562 : memref<1x1x1024x128xbf16, #tpu.memory_space<vmem>> -> memref<1024x128xbf16, #tpu.memory_space<vmem>>
      %dma_start3A_564 = arith.constant 2048 : i32
      %dma_start3A_565 = arith.constant 0 : i32
      %dma_start3A_566 = tpu.memref_slice %arg4[%dma_start3A_555, %dma_start3A_564, %dma_start3A_565] : memref<8x100001x128xbf16, #tpu.memory_space<any>> -> memref<1x1024x128xbf16, #tpu.memory_space<any>>
      %dma_start3A_567 = tpu.memref_squeeze %dma_start3A_566 : memref<1x1024x128xbf16, #tpu.memory_space<any>> -> memref<1024x128xbf16, #tpu.memory_space<any>>
      tpu.enqueue_dma source(%dma_start3A_567 : memref<1024x128xbf16, #tpu.memory_space<any>>) target(%dma_start3A_563 : memref<1024x128xbf16, #tpu.memory_space<vmem>>) target_semaphore(%dma_start3A_559 : memref<!tpu.dma_semaphore, #tpu.memory_space<semaphore_mem>>)
      %dma_start3A_568 = arith.constant 5 : i32
      %dma_start3A_569 = arith.constant 5 : i32
      %dma_start3A_570 = arith.constant 5 : i32
      %dma_start3A_571 = tpu.memref_slice %arg8[%rem3A_502, %dma_start3A_570] : memref<4x8x!tpu.dma_semaphore, #tpu.memory_space<semaphore_mem>> -> memref<1x1x!tpu.dma_semaphore, #tpu.memory_space<semaphore_mem>>
      %dma_start3A_572 = tpu.memref_squeeze %dma_start3A_571 : memref<1x1x!tpu.dma_semaphore, #tpu.memory_space<semaphore_mem>> -> memref<!tpu.dma_semaphore, #tpu.memory_space<semaphore_mem>>
      %dma_start3A_573 = arith.constant 0 : i32
      %dma_start3A_574 = arith.constant 0 : i32
      %dma_start3A_575 = tpu.memref_slice %arg6[%rem3A_502, %dma_start3A_569, %dma_start3A_573, %dma_start3A_574] : memref<4x8x1024x128xbf16, #tpu.memory_space<vmem>> -> memref<1x1x1024x128xbf16, #tpu.memory_space<vmem>>
      %dma_start3A_576 = tpu.memref_squeeze %dma_start3A_575 : memref<1x1x1024x128xbf16, #tpu.memory_space<vmem>> -> memref<1024x128xbf16, #tpu.memory_space<vmem>>
      %dma_start3A_577 = arith.constant 2048 : i32
      %dma_start3A_578 = arith.constant 0 : i32
      %dma_start3A_579 = tpu.memref_slice %arg4[%dma_start3A_568, %dma_start3A_577, %dma_start3A_578] : memref<8x100001x128xbf16, #tpu.memory_space<any>> -> memref<1x1024x128xbf16, #tpu.memory_space<any>>
      %dma_start3A_580 = tpu.memref_squeeze %dma_start3A_579 : memref<1x1024x128xbf16, #tpu.memory_space<any>> -> memref<1024x128xbf16, #tpu.memory_space<any>>
      tpu.enqueue_dma source(%dma_start3A_580 : memref<1024x128xbf16, #tpu.memory_space<any>>) target(%dma_start3A_576 : memref<1024x128xbf16, #tpu.memory_space<vmem>>) target_semaphore(%dma_start3A_572 : memref<!tpu.dma_semaphore, #tpu.memory_space<semaphore_mem>>)
      %dma_start3A_581 = arith.constant 6 : i32
      %dma_start3A_582 = arith.constant 6 : i32
      %dma_start3A_583 = arith.constant 6 : i32
      %dma_start3A_584 = tpu.memref_slice %arg8[%rem3A_502, %dma_start3A_583] : memref<4x8x!tpu.dma_semaphore, #tpu.memory_space<semaphore_mem>> -> memref<1x1x!tpu.dma_semaphore, #tpu.memory_space<semaphore_mem>>
      %dma_start3A_585 = tpu.memref_squeeze %dma_start3A_584 : memref<1x1x!tpu.dma_semaphore, #tpu.memory_space<semaphore_mem>> -> memref<!tpu.dma_semaphore, #tpu.memory_space<semaphore_mem>>
      %dma_start3A_586 = arith.constant 0 : i32
      %dma_start3A_587 = arith.constant 0 : i32
      %dma_start3A_588 = tpu.memref_slice %arg6[%rem3A_502, %dma_start3A_582, %dma_start3A_586, %dma_start3A_587] : memref<4x8x1024x128xbf16, #tpu.memory_space<vmem>> -> memref<1x1x1024x128xbf16, #tpu.memory_space<vmem>>
      %dma_start3A_589 = tpu.memref_squeeze %dma_start3A_588 : memref<1x1x1024x128xbf16, #tpu.memory_space<vmem>> -> memref<1024x128xbf16, #tpu.memory_space<vmem>>
      %dma_start3A_590 = arith.constant 2048 : i32
      %dma_start3A_591 = arith.constant 0 : i32
      %dma_start3A_592 = tpu.memref_slice %arg4[%dma_start3A_581, %dma_start3A_590, %dma_start3A_591] : memref<8x100001x128xbf16, #tpu.memory_space<any>> -> memref<1x1024x128xbf16, #tpu.memory_space<any>>
      %dma_start3A_593 = tpu.memref_squeeze %dma_start3A_592 : memref<1x1024x128xbf16, #tpu.memory_space<any>> -> memref<1024x128xbf16, #tpu.memory_space<any>>
      tpu.enqueue_dma source(%dma_start3A_593 : memref<1024x128xbf16, #tpu.memory_space<any>>) target(%dma_start3A_589 : memref<1024x128xbf16, #tpu.memory_space<vmem>>) target_semaphore(%dma_start3A_585 : memref<!tpu.dma_semaphore, #tpu.memory_space<semaphore_mem>>)
      %dma_start3A_594 = arith.constant 7 : i32
      %dma_start3A_595 = arith.constant 7 : i32
      %dma_start3A_596 = arith.constant 7 : i32
      %dma_start3A_597 = tpu.memref_slice %arg8[%rem3A_502, %dma_start3A_596] : memref<4x8x!tpu.dma_semaphore, #tpu.memory_space<semaphore_mem>> -> memref<1x1x!tpu.dma_semaphore, #tpu.memory_space<semaphore_mem>>
      %dma_start3A_598 = tpu.memref_squeeze %dma_start3A_597 : memref<1x1x!tpu.dma_semaphore, #tpu.memory_space<semaphore_mem>> -> memref<!tpu.dma_semaphore, #tpu.memory_space<semaphore_mem>>
      %dma_start3A_599 = arith.constant 0 : i32
      %dma_start3A_600 = arith.constant 0 : i32
      %dma_start3A_601 = tpu.memref_slice %arg6[%rem3A_502, %dma_start3A_595, %dma_start3A_599, %dma_start3A_600] : memref<4x8x1024x128xbf16, #tpu.memory_space<vmem>> -> memref<1x1x1024x128xbf16, #tpu.memory_space<vmem>>
      %dma_start3A_602 = tpu.memref_squeeze %dma_start3A_601 : memref<1x1x1024x128xbf16, #tpu.memory_space<vmem>> -> memref<1024x128xbf16, #tpu.memory_space<vmem>>
      %dma_start3A_603 = arith.constant 2048 : i32
      %dma_start3A_604 = arith.constant 0 : i32
      %dma_start3A_605 = tpu.memref_slice %arg4[%dma_start3A_594, %dma_start3A_603, %dma_start3A_604] : memref<8x100001x128xbf16, #tpu.memory_space<any>> -> memref<1x1024x128xbf16, #tpu.memory_space<any>>
      %dma_start3A_606 = tpu.memref_squeeze %dma_start3A_605 : memref<1x1024x128xbf16, #tpu.memory_space<any>> -> memref<1024x128xbf16, #tpu.memory_space<any>>
      tpu.enqueue_dma source(%dma_start3A_606 : memref<1024x128xbf16, #tpu.memory_space<any>>) target(%dma_start3A_602 : memref<1024x128xbf16, #tpu.memory_space<vmem>>) target_semaphore(%dma_start3A_598 : memref<!tpu.dma_semaphore, #tpu.memory_space<semaphore_mem>>)
    } else {
    }
    %add3A = arith.constant 4 : i32
    %add3A_2 = arith.addi %arg0, %add3A : i32
    %sub3A = arith.constant 1 : i32
    %sub3A_3 = arith.subi %add3A_2, %sub3A : i32
    %lt3A = arith.constant 97 : i32
    %lt3A_4 = arith.cmpi slt, %sub3A_3, %lt3A : i32
    %convert_element_type3A_5 = arith.extui %lt3A_4 : i1 to i32
    %cond3A_6 = arith.constant 0 : i32
    %cond3A_7 = arith.cmpi ne, %convert_element_type3A_5, %cond3A_6 : i32
    scf.if %cond3A_7 {
      %add3A_286 = arith.constant 4 : i32
      %add3A_287 = arith.addi %arg0, %add3A_286 : i32
      %sub3A_288 = arith.constant 1 : i32
      %sub3A_289 = arith.subi %add3A_287, %sub3A_288 : i32
      %rem3A_290 = arith.constant 4 : i32
      %rem3A_291 = arith.remsi %sub3A_289, %rem3A_290 : i32
      %mul3A_292 = arith.constant 1024 : i32
      %mul3A_293 = arith.muli %sub3A_289, %mul3A_292 : i32
      %mul3A_294 = arith.constant 1024 : i32
      %mul3A_295 = arith.muli %sub3A_289, %mul3A_294 : i32
      %mul3A_296 = arith.constant 1024 : i32
      %mul3A_297 = arith.muli %sub3A_289, %mul3A_296 : i32
      %mul3A_298 = arith.constant 1024 : i32
      %mul3A_299 = arith.muli %sub3A_289, %mul3A_298 : i32
      %mul3A_300 = arith.constant 1024 : i32
      %mul3A_301 = arith.muli %sub3A_289, %mul3A_300 : i32
      %mul3A_302 = arith.constant 1024 : i32
      %mul3A_303 = arith.muli %sub3A_289, %mul3A_302 : i32
      %mul3A_304 = arith.constant 1024 : i32
      %mul3A_305 = arith.muli %sub3A_289, %mul3A_304 : i32
      %mul3A_306 = arith.constant 1024 : i32
      %mul3A_307 = arith.muli %sub3A_289, %mul3A_306 : i32
      %dma_start3A_308 = arith.constant 0 : i32
      %dma_start3A_309 = arith.constant 0 : i32
      %dma_start3A_310 = arith.constant 0 : i32
      %dma_start3A_311 = tpu.memref_slice %arg8[%rem3A_291, %dma_start3A_310] : memref<4x8x!tpu.dma_semaphore, #tpu.memory_space<semaphore_mem>> -> memref<1x1x!tpu.dma_semaphore, #tpu.memory_space<semaphore_mem>>
      %dma_start3A_312 = tpu.memref_squeeze %dma_start3A_311 : memref<1x1x!tpu.dma_semaphore, #tpu.memory_space<semaphore_mem>> -> memref<!tpu.dma_semaphore, #tpu.memory_space<semaphore_mem>>
      %dma_start3A_313 = arith.constant 0 : i32
      %dma_start3A_314 = arith.constant 0 : i32
      %dma_start3A_315 = tpu.memref_slice %arg6[%rem3A_291, %dma_start3A_309, %dma_start3A_313, %dma_start3A_314] : memref<4x8x1024x128xbf16, #tpu.memory_space<vmem>> -> memref<1x1x1024x128xbf16, #tpu.memory_space<vmem>>
      %dma_start3A_316 = tpu.memref_squeeze %dma_start3A_315 : memref<1x1x1024x128xbf16, #tpu.memory_space<vmem>> -> memref<1024x128xbf16, #tpu.memory_space<vmem>>
      %dma_start3A_317 = arith.constant 0 : i32
      %dma_start3A_318 = tpu.memref_slice %arg4[%dma_start3A_308, %mul3A_293, %dma_start3A_317] : memref<8x100001x128xbf16, #tpu.memory_space<any>> -> memref<1x1024x128xbf16, #tpu.memory_space<any>>
      %dma_start3A_319 = tpu.memref_squeeze %dma_start3A_318 : memref<1x1024x128xbf16, #tpu.memory_space<any>> -> memref<1024x128xbf16, #tpu.memory_space<any>>
      tpu.enqueue_dma source(%dma_start3A_319 : memref<1024x128xbf16, #tpu.memory_space<any>>) target(%dma_start3A_316 : memref<1024x128xbf16, #tpu.memory_space<vmem>>) target_semaphore(%dma_start3A_312 : memref<!tpu.dma_semaphore, #tpu.memory_space<semaphore_mem>>)
      %dma_start3A_320 = arith.constant 1 : i32
      %dma_start3A_321 = arith.constant 1 : i32
      %dma_start3A_322 = arith.constant 1 : i32
      %dma_start3A_323 = tpu.memref_slice %arg8[%rem3A_291, %dma_start3A_322] : memref<4x8x!tpu.dma_semaphore, #tpu.memory_space<semaphore_mem>> -> memref<1x1x!tpu.dma_semaphore, #tpu.memory_space<semaphore_mem>>
      %dma_start3A_324 = tpu.memref_squeeze %dma_start3A_323 : memref<1x1x!tpu.dma_semaphore, #tpu.memory_space<semaphore_mem>> -> memref<!tpu.dma_semaphore, #tpu.memory_space<semaphore_mem>>
      %dma_start3A_325 = arith.constant 0 : i32
      %dma_start3A_326 = arith.constant 0 : i32
      %dma_start3A_327 = tpu.memref_slice %arg6[%rem3A_291, %dma_start3A_321, %dma_start3A_325, %dma_start3A_326] : memref<4x8x1024x128xbf16, #tpu.memory_space<vmem>> -> memref<1x1x1024x128xbf16, #tpu.memory_space<vmem>>
      %dma_start3A_328 = tpu.memref_squeeze %dma_start3A_327 : memref<1x1x1024x128xbf16, #tpu.memory_space<vmem>> -> memref<1024x128xbf16, #tpu.memory_space<vmem>>
      %dma_start3A_329 = arith.constant 0 : i32
      %dma_start3A_330 = tpu.memref_slice %arg4[%dma_start3A_320, %mul3A_295, %dma_start3A_329] : memref<8x100001x128xbf16, #tpu.memory_space<any>> -> memref<1x1024x128xbf16, #tpu.memory_space<any>>
      %dma_start3A_331 = tpu.memref_squeeze %dma_start3A_330 : memref<1x1024x128xbf16, #tpu.memory_space<any>> -> memref<1024x128xbf16, #tpu.memory_space<any>>
      tpu.enqueue_dma source(%dma_start3A_331 : memref<1024x128xbf16, #tpu.memory_space<any>>) target(%dma_start3A_328 : memref<1024x128xbf16, #tpu.memory_space<vmem>>) target_semaphore(%dma_start3A_324 : memref<!tpu.dma_semaphore, #tpu.memory_space<semaphore_mem>>)
      %dma_start3A_332 = arith.constant 2 : i32
      %dma_start3A_333 = arith.constant 2 : i32
      %dma_start3A_334 = arith.constant 2 : i32
      %dma_start3A_335 = tpu.memref_slice %arg8[%rem3A_291, %dma_start3A_334] : memref<4x8x!tpu.dma_semaphore, #tpu.memory_space<semaphore_mem>> -> memref<1x1x!tpu.dma_semaphore, #tpu.memory_space<semaphore_mem>>
      %dma_start3A_336 = tpu.memref_squeeze %dma_start3A_335 : memref<1x1x!tpu.dma_semaphore, #tpu.memory_space<semaphore_mem>> -> memref<!tpu.dma_semaphore, #tpu.memory_space<semaphore_mem>>
      %dma_start3A_337 = arith.constant 0 : i32
      %dma_start3A_338 = arith.constant 0 : i32
      %dma_start3A_339 = tpu.memref_slice %arg6[%rem3A_291, %dma_start3A_333, %dma_start3A_337, %dma_start3A_338] : memref<4x8x1024x128xbf16, #tpu.memory_space<vmem>> -> memref<1x1x1024x128xbf16, #tpu.memory_space<vmem>>
      %dma_start3A_340 = tpu.memref_squeeze %dma_start3A_339 : memref<1x1x1024x128xbf16, #tpu.memory_space<vmem>> -> memref<1024x128xbf16, #tpu.memory_space<vmem>>
      %dma_start3A_341 = arith.constant 0 : i32
      %dma_start3A_342 = tpu.memref_slice %arg4[%dma_start3A_332, %mul3A_297, %dma_start3A_341] : memref<8x100001x128xbf16, #tpu.memory_space<any>> -> memref<1x1024x128xbf16, #tpu.memory_space<any>>
      %dma_start3A_343 = tpu.memref_squeeze %dma_start3A_342 : memref<1x1024x128xbf16, #tpu.memory_space<any>> -> memref<1024x128xbf16, #tpu.memory_space<any>>
      tpu.enqueue_dma source(%dma_start3A_343 : memref<1024x128xbf16, #tpu.memory_space<any>>) target(%dma_start3A_340 : memref<1024x128xbf16, #tpu.memory_space<vmem>>) target_semaphore(%dma_start3A_336 : memref<!tpu.dma_semaphore, #tpu.memory_space<semaphore_mem>>)
      %dma_start3A_344 = arith.constant 3 : i32
      %dma_start3A_345 = arith.constant 3 : i32
      %dma_start3A_346 = arith.constant 3 : i32
      %dma_start3A_347 = tpu.memref_slice %arg8[%rem3A_291, %dma_start3A_346] : memref<4x8x!tpu.dma_semaphore, #tpu.memory_space<semaphore_mem>> -> memref<1x1x!tpu.dma_semaphore, #tpu.memory_space<semaphore_mem>>
      %dma_start3A_348 = tpu.memref_squeeze %dma_start3A_347 : memref<1x1x!tpu.dma_semaphore, #tpu.memory_space<semaphore_mem>> -> memref<!tpu.dma_semaphore, #tpu.memory_space<semaphore_mem>>
      %dma_start3A_349 = arith.constant 0 : i32
      %dma_start3A_350 = arith.constant 0 : i32
      %dma_start3A_351 = tpu.memref_slice %arg6[%rem3A_291, %dma_start3A_345, %dma_start3A_349, %dma_start3A_350] : memref<4x8x1024x128xbf16, #tpu.memory_space<vmem>> -> memref<1x1x1024x128xbf16, #tpu.memory_space<vmem>>
      %dma_start3A_352 = tpu.memref_squeeze %dma_start3A_351 : memref<1x1x1024x128xbf16, #tpu.memory_space<vmem>> -> memref<1024x128xbf16, #tpu.memory_space<vmem>>
      %dma_start3A_353 = arith.constant 0 : i32
      %dma_start3A_354 = tpu.memref_slice %arg4[%dma_start3A_344, %mul3A_299, %dma_start3A_353] : memref<8x100001x128xbf16, #tpu.memory_space<any>> -> memref<1x1024x128xbf16, #tpu.memory_space<any>>
      %dma_start3A_355 = tpu.memref_squeeze %dma_start3A_354 : memref<1x1024x128xbf16, #tpu.memory_space<any>> -> memref<1024x128xbf16, #tpu.memory_space<any>>
      tpu.enqueue_dma source(%dma_start3A_355 : memref<1024x128xbf16, #tpu.memory_space<any>>) target(%dma_start3A_352 : memref<1024x128xbf16, #tpu.memory_space<vmem>>) target_semaphore(%dma_start3A_348 : memref<!tpu.dma_semaphore, #tpu.memory_space<semaphore_mem>>)
      %dma_start3A_356 = arith.constant 4 : i32
      %dma_start3A_357 = arith.constant 4 : i32
      %dma_start3A_358 = arith.constant 4 : i32
      %dma_start3A_359 = tpu.memref_slice %arg8[%rem3A_291, %dma_start3A_358] : memref<4x8x!tpu.dma_semaphore, #tpu.memory_space<semaphore_mem>> -> memref<1x1x!tpu.dma_semaphore, #tpu.memory_space<semaphore_mem>>
      %dma_start3A_360 = tpu.memref_squeeze %dma_start3A_359 : memref<1x1x!tpu.dma_semaphore, #tpu.memory_space<semaphore_mem>> -> memref<!tpu.dma_semaphore, #tpu.memory_space<semaphore_mem>>
      %dma_start3A_361 = arith.constant 0 : i32
      %dma_start3A_362 = arith.constant 0 : i32
      %dma_start3A_363 = tpu.memref_slice %arg6[%rem3A_291, %dma_start3A_357, %dma_start3A_361, %dma_start3A_362] : memref<4x8x1024x128xbf16, #tpu.memory_space<vmem>> -> memref<1x1x1024x128xbf16, #tpu.memory_space<vmem>>
      %dma_start3A_364 = tpu.memref_squeeze %dma_start3A_363 : memref<1x1x1024x128xbf16, #tpu.memory_space<vmem>> -> memref<1024x128xbf16, #tpu.memory_space<vmem>>
      %dma_start3A_365 = arith.constant 0 : i32
      %dma_start3A_366 = tpu.memref_slice %arg4[%dma_start3A_356, %mul3A_301, %dma_start3A_365] : memref<8x100001x128xbf16, #tpu.memory_space<any>> -> memref<1x1024x128xbf16, #tpu.memory_space<any>>
      %dma_start3A_367 = tpu.memref_squeeze %dma_start3A_366 : memref<1x1024x128xbf16, #tpu.memory_space<any>> -> memref<1024x128xbf16, #tpu.memory_space<any>>
      tpu.enqueue_dma source(%dma_start3A_367 : memref<1024x128xbf16, #tpu.memory_space<any>>) target(%dma_start3A_364 : memref<1024x128xbf16, #tpu.memory_space<vmem>>) target_semaphore(%dma_start3A_360 : memref<!tpu.dma_semaphore, #tpu.memory_space<semaphore_mem>>)
      %dma_start3A_368 = arith.constant 5 : i32
      %dma_start3A_369 = arith.constant 5 : i32
      %dma_start3A_370 = arith.constant 5 : i32
      %dma_start3A_371 = tpu.memref_slice %arg8[%rem3A_291, %dma_start3A_370] : memref<4x8x!tpu.dma_semaphore, #tpu.memory_space<semaphore_mem>> -> memref<1x1x!tpu.dma_semaphore, #tpu.memory_space<semaphore_mem>>
      %dma_start3A_372 = tpu.memref_squeeze %dma_start3A_371 : memref<1x1x!tpu.dma_semaphore, #tpu.memory_space<semaphore_mem>> -> memref<!tpu.dma_semaphore, #tpu.memory_space<semaphore_mem>>
      %dma_start3A_373 = arith.constant 0 : i32
      %dma_start3A_374 = arith.constant 0 : i32
      %dma_start3A_375 = tpu.memref_slice %arg6[%rem3A_291, %dma_start3A_369, %dma_start3A_373, %dma_start3A_374] : memref<4x8x1024x128xbf16, #tpu.memory_space<vmem>> -> memref<1x1x1024x128xbf16, #tpu.memory_space<vmem>>
      %dma_start3A_376 = tpu.memref_squeeze %dma_start3A_375 : memref<1x1x1024x128xbf16, #tpu.memory_space<vmem>> -> memref<1024x128xbf16, #tpu.memory_space<vmem>>
      %dma_start3A_377 = arith.constant 0 : i32
      %dma_start3A_378 = tpu.memref_slice %arg4[%dma_start3A_368, %mul3A_303, %dma_start3A_377] : memref<8x100001x128xbf16, #tpu.memory_space<any>> -> memref<1x1024x128xbf16, #tpu.memory_space<any>>
      %dma_start3A_379 = tpu.memref_squeeze %dma_start3A_378 : memref<1x1024x128xbf16, #tpu.memory_space<any>> -> memref<1024x128xbf16, #tpu.memory_space<any>>
      tpu.enqueue_dma source(%dma_start3A_379 : memref<1024x128xbf16, #tpu.memory_space<any>>) target(%dma_start3A_376 : memref<1024x128xbf16, #tpu.memory_space<vmem>>) target_semaphore(%dma_start3A_372 : memref<!tpu.dma_semaphore, #tpu.memory_space<semaphore_mem>>)
      %dma_start3A_380 = arith.constant 6 : i32
      %dma_start3A_381 = arith.constant 6 : i32
      %dma_start3A_382 = arith.constant 6 : i32
      %dma_start3A_383 = tpu.memref_slice %arg8[%rem3A_291, %dma_start3A_382] : memref<4x8x!tpu.dma_semaphore, #tpu.memory_space<semaphore_mem>> -> memref<1x1x!tpu.dma_semaphore, #tpu.memory_space<semaphore_mem>>
      %dma_start3A_384 = tpu.memref_squeeze %dma_start3A_383 : memref<1x1x!tpu.dma_semaphore, #tpu.memory_space<semaphore_mem>> -> memref<!tpu.dma_semaphore, #tpu.memory_space<semaphore_mem>>
      %dma_start3A_385 = arith.constant 0 : i32
      %dma_start3A_386 = arith.constant 0 : i32
      %dma_start3A_387 = tpu.memref_slice %arg6[%rem3A_291, %dma_start3A_381, %dma_start3A_385, %dma_start3A_386] : memref<4x8x1024x128xbf16, #tpu.memory_space<vmem>> -> memref<1x1x1024x128xbf16, #tpu.memory_space<vmem>>
      %dma_start3A_388 = tpu.memref_squeeze %dma_start3A_387 : memref<1x1x1024x128xbf16, #tpu.memory_space<vmem>> -> memref<1024x128xbf16, #tpu.memory_space<vmem>>
      %dma_start3A_389 = arith.constant 0 : i32
      %dma_start3A_390 = tpu.memref_slice %arg4[%dma_start3A_380, %mul3A_305, %dma_start3A_389] : memref<8x100001x128xbf16, #tpu.memory_space<any>> -> memref<1x1024x128xbf16, #tpu.memory_space<any>>
      %dma_start3A_391 = tpu.memref_squeeze %dma_start3A_390 : memref<1x1024x128xbf16, #tpu.memory_space<any>> -> memref<1024x128xbf16, #tpu.memory_space<any>>
      tpu.enqueue_dma source(%dma_start3A_391 : memref<1024x128xbf16, #tpu.memory_space<any>>) target(%dma_start3A_388 : memref<1024x128xbf16, #tpu.memory_space<vmem>>) target_semaphore(%dma_start3A_384 : memref<!tpu.dma_semaphore, #tpu.memory_space<semaphore_mem>>)
      %dma_start3A_392 = arith.constant 7 : i32
      %dma_start3A_393 = arith.constant 7 : i32
      %dma_start3A_394 = arith.constant 7 : i32
      %dma_start3A_395 = tpu.memref_slice %arg8[%rem3A_291, %dma_start3A_394] : memref<4x8x!tpu.dma_semaphore, #tpu.memory_space<semaphore_mem>> -> memref<1x1x!tpu.dma_semaphore, #tpu.memory_space<semaphore_mem>>
      %dma_start3A_396 = tpu.memref_squeeze %dma_start3A_395 : memref<1x1x!tpu.dma_semaphore, #tpu.memory_space<semaphore_mem>> -> memref<!tpu.dma_semaphore, #tpu.memory_space<semaphore_mem>>
      %dma_start3A_397 = arith.constant 0 : i32
      %dma_start3A_398 = arith.constant 0 : i32
      %dma_start3A_399 = tpu.memref_slice %arg6[%rem3A_291, %dma_start3A_393, %dma_start3A_397, %dma_start3A_398] : memref<4x8x1024x128xbf16, #tpu.memory_space<vmem>> -> memref<1x1x1024x128xbf16, #tpu.memory_space<vmem>>
      %dma_start3A_400 = tpu.memref_squeeze %dma_start3A_399 : memref<1x1x1024x128xbf16, #tpu.memory_space<vmem>> -> memref<1024x128xbf16, #tpu.memory_space<vmem>>
      %dma_start3A_401 = arith.constant 0 : i32
      %dma_start3A_402 = tpu.memref_slice %arg4[%dma_start3A_392, %mul3A_307, %dma_start3A_401] : memref<8x100001x128xbf16, #tpu.memory_space<any>> -> memref<1x1024x128xbf16, #tpu.memory_space<any>>
      %dma_start3A_403 = tpu.memref_squeeze %dma_start3A_402 : memref<1x1024x128xbf16, #tpu.memory_space<any>> -> memref<1024x128xbf16, #tpu.memory_space<any>>
      tpu.enqueue_dma source(%dma_start3A_403 : memref<1024x128xbf16, #tpu.memory_space<any>>) target(%dma_start3A_400 : memref<1024x128xbf16, #tpu.memory_space<vmem>>) target_semaphore(%dma_start3A_396 : memref<!tpu.dma_semaphore, #tpu.memory_space<semaphore_mem>>)
    } else {
    }
    %ge3A = arith.constant 4 : i32
    %ge3A_8 = arith.cmpi sge, %arg0, %ge3A : i32
    %convert_element_type3A_9 = arith.extui %ge3A_8 : i1 to i32
    %cond3A_10 = arith.constant 0 : i32
    %cond3A_11 = arith.cmpi ne, %convert_element_type3A_9, %cond3A_10 : i32
    scf.if %cond3A_11 {
      %sub3A_286 = arith.constant 4 : i32
      %sub3A_287 = arith.subi %arg0, %sub3A_286 : i32
      %rem3A_288 = arith.constant 4 : i32
      %rem3A_289 = arith.remsi %sub3A_287, %rem3A_288 : i32
      %mul3A_290 = arith.constant 1024 : i32
      %mul3A_291 = arith.muli %sub3A_287, %mul3A_290 : i32
      %mul3A_292 = arith.constant 1024 : i32
      %mul3A_293 = arith.muli %sub3A_287, %mul3A_292 : i32
      %mul3A_294 = arith.constant 1024 : i32
      %mul3A_295 = arith.muli %sub3A_287, %mul3A_294 : i32
      %mul3A_296 = arith.constant 1024 : i32
      %mul3A_297 = arith.muli %sub3A_287, %mul3A_296 : i32
      %mul3A_298 = arith.constant 1024 : i32
      %mul3A_299 = arith.muli %sub3A_287, %mul3A_298 : i32
      %mul3A_300 = arith.constant 1024 : i32
      %mul3A_301 = arith.muli %sub3A_287, %mul3A_300 : i32
      %mul3A_302 = arith.constant 1024 : i32
      %mul3A_303 = arith.muli %sub3A_287, %mul3A_302 : i32
      %mul3A_304 = arith.constant 1024 : i32
      %mul3A_305 = arith.muli %sub3A_287, %mul3A_304 : i32
      %dma_wait3A_306 = arith.constant 0 : i32
      %dma_wait3A_307 = tpu.memref_slice %arg9[%rem3A_289, %dma_wait3A_306] : memref<4x8x!tpu.dma_semaphore, #tpu.memory_space<semaphore_mem>> -> memref<1x1x!tpu.dma_semaphore, #tpu.memory_space<semaphore_mem>>
      %dma_wait3A_308 = tpu.memref_squeeze %dma_wait3A_307 : memref<1x1x!tpu.dma_semaphore, #tpu.memory_space<semaphore_mem>> -> memref<!tpu.dma_semaphore, #tpu.memory_space<semaphore_mem>>
      %dma_wait3A_309 = arith.constant 0 : i32
      %dma_wait3A_310 = tpu.memref_slice %arg5[%dma_wait3A_309, %mul3A_291] : memref<1024x100001xbf16, #tpu.memory_space<any>> -> memref<128x1024xbf16, #tpu.memory_space<any>>
      %dma_wait3A_311 = arith.constant 0 : i32
      %dma_wait3A_312 = arith.constant 0 : i32
      %dma_wait3A_313 = tpu.memref_slice %arg7[%rem3A_289, %dma_wait3A_311, %dma_wait3A_312] : memref<4x1024x1024xbf16, #tpu.memory_space<vmem>> -> memref<1x128x1024xbf16, #tpu.memory_space<vmem>>
      %dma_wait3A_314 = tpu.memref_squeeze %dma_wait3A_313 : memref<1x128x1024xbf16, #tpu.memory_space<vmem>> -> memref<128x1024xbf16, #tpu.memory_space<vmem>>
      tpu.wait_dma2 semaphore(%dma_wait3A_308 : memref<!tpu.dma_semaphore, #tpu.memory_space<semaphore_mem>>) src(%dma_wait3A_314 : memref<128x1024xbf16, #tpu.memory_space<vmem>>) dst(%dma_wait3A_310 : memref<128x1024xbf16, #tpu.memory_space<any>>)
      %dma_wait3A_315 = arith.constant 1 : i32
      %dma_wait3A_316 = tpu.memref_slice %arg9[%rem3A_289, %dma_wait3A_315] : memref<4x8x!tpu.dma_semaphore, #tpu.memory_space<semaphore_mem>> -> memref<1x1x!tpu.dma_semaphore, #tpu.memory_space<semaphore_mem>>
      %dma_wait3A_317 = tpu.memref_squeeze %dma_wait3A_316 : memref<1x1x!tpu.dma_semaphore, #tpu.memory_space<semaphore_mem>> -> memref<!tpu.dma_semaphore, #tpu.memory_space<semaphore_mem>>
      %dma_wait3A_318 = arith.constant 128 : i32
      %dma_wait3A_319 = tpu.memref_slice %arg5[%dma_wait3A_318, %mul3A_293] : memref<1024x100001xbf16, #tpu.memory_space<any>> -> memref<128x1024xbf16, #tpu.memory_space<any>>
      %dma_wait3A_320 = arith.constant 128 : i32
      %dma_wait3A_321 = arith.constant 0 : i32
      %dma_wait3A_322 = tpu.memref_slice %arg7[%rem3A_289, %dma_wait3A_320, %dma_wait3A_321] : memref<4x1024x1024xbf16, #tpu.memory_space<vmem>> -> memref<1x128x1024xbf16, #tpu.memory_space<vmem>>
      %dma_wait3A_323 = tpu.memref_squeeze %dma_wait3A_322 : memref<1x128x1024xbf16, #tpu.memory_space<vmem>> -> memref<128x1024xbf16, #tpu.memory_space<vmem>>
      tpu.wait_dma2 semaphore(%dma_wait3A_317 : memref<!tpu.dma_semaphore, #tpu.memory_space<semaphore_mem>>) src(%dma_wait3A_323 : memref<128x1024xbf16, #tpu.memory_space<vmem>>) dst(%dma_wait3A_319 : memref<128x1024xbf16, #tpu.memory_space<any>>)
      %dma_wait3A_324 = arith.constant 2 : i32
      %dma_wait3A_325 = tpu.memref_slice %arg9[%rem3A_289, %dma_wait3A_324] : memref<4x8x!tpu.dma_semaphore, #tpu.memory_space<semaphore_mem>> -> memref<1x1x!tpu.dma_semaphore, #tpu.memory_space<semaphore_mem>>
      %dma_wait3A_326 = tpu.memref_squeeze %dma_wait3A_325 : memref<1x1x!tpu.dma_semaphore, #tpu.memory_space<semaphore_mem>> -> memref<!tpu.dma_semaphore, #tpu.memory_space<semaphore_mem>>
      %dma_wait3A_327 = arith.constant 256 : i32
      %dma_wait3A_328 = tpu.memref_slice %arg5[%dma_wait3A_327, %mul3A_295] : memref<1024x100001xbf16, #tpu.memory_space<any>> -> memref<128x1024xbf16, #tpu.memory_space<any>>
      %dma_wait3A_329 = arith.constant 256 : i32
      %dma_wait3A_330 = arith.constant 0 : i32
      %dma_wait3A_331 = tpu.memref_slice %arg7[%rem3A_289, %dma_wait3A_329, %dma_wait3A_330] : memref<4x1024x1024xbf16, #tpu.memory_space<vmem>> -> memref<1x128x1024xbf16, #tpu.memory_space<vmem>>
      %dma_wait3A_332 = tpu.memref_squeeze %dma_wait3A_331 : memref<1x128x1024xbf16, #tpu.memory_space<vmem>> -> memref<128x1024xbf16, #tpu.memory_space<vmem>>
      tpu.wait_dma2 semaphore(%dma_wait3A_326 : memref<!tpu.dma_semaphore, #tpu.memory_space<semaphore_mem>>) src(%dma_wait3A_332 : memref<128x1024xbf16, #tpu.memory_space<vmem>>) dst(%dma_wait3A_328 : memref<128x1024xbf16, #tpu.memory_space<any>>)
      %dma_wait3A_333 = arith.constant 3 : i32
      %dma_wait3A_334 = tpu.memref_slice %arg9[%rem3A_289, %dma_wait3A_333] : memref<4x8x!tpu.dma_semaphore, #tpu.memory_space<semaphore_mem>> -> memref<1x1x!tpu.dma_semaphore, #tpu.memory_space<semaphore_mem>>
      %dma_wait3A_335 = tpu.memref_squeeze %dma_wait3A_334 : memref<1x1x!tpu.dma_semaphore, #tpu.memory_space<semaphore_mem>> -> memref<!tpu.dma_semaphore, #tpu.memory_space<semaphore_mem>>
      %dma_wait3A_336 = arith.constant 384 : i32
      %dma_wait3A_337 = tpu.memref_slice %arg5[%dma_wait3A_336, %mul3A_297] : memref<1024x100001xbf16, #tpu.memory_space<any>> -> memref<128x1024xbf16, #tpu.memory_space<any>>
      %dma_wait3A_338 = arith.constant 384 : i32
      %dma_wait3A_339 = arith.constant 0 : i32
      %dma_wait3A_340 = tpu.memref_slice %arg7[%rem3A_289, %dma_wait3A_338, %dma_wait3A_339] : memref<4x1024x1024xbf16, #tpu.memory_space<vmem>> -> memref<1x128x1024xbf16, #tpu.memory_space<vmem>>
      %dma_wait3A_341 = tpu.memref_squeeze %dma_wait3A_340 : memref<1x128x1024xbf16, #tpu.memory_space<vmem>> -> memref<128x1024xbf16, #tpu.memory_space<vmem>>
      tpu.wait_dma2 semaphore(%dma_wait3A_335 : memref<!tpu.dma_semaphore, #tpu.memory_space<semaphore_mem>>) src(%dma_wait3A_341 : memref<128x1024xbf16, #tpu.memory_space<vmem>>) dst(%dma_wait3A_337 : memref<128x1024xbf16, #tpu.memory_space<any>>)
      %dma_wait3A_342 = arith.constant 4 : i32
      %dma_wait3A_343 = tpu.memref_slice %arg9[%rem3A_289, %dma_wait3A_342] : memref<4x8x!tpu.dma_semaphore, #tpu.memory_space<semaphore_mem>> -> memref<1x1x!tpu.dma_semaphore, #tpu.memory_space<semaphore_mem>>
      %dma_wait3A_344 = tpu.memref_squeeze %dma_wait3A_343 : memref<1x1x!tpu.dma_semaphore, #tpu.memory_space<semaphore_mem>> -> memref<!tpu.dma_semaphore, #tpu.memory_space<semaphore_mem>>
      %dma_wait3A_345 = arith.constant 512 : i32
      %dma_wait3A_346 = tpu.memref_slice %arg5[%dma_wait3A_345, %mul3A_299] : memref<1024x100001xbf16, #tpu.memory_space<any>> -> memref<128x1024xbf16, #tpu.memory_space<any>>
      %dma_wait3A_347 = arith.constant 512 : i32
      %dma_wait3A_348 = arith.constant 0 : i32
      %dma_wait3A_349 = tpu.memref_slice %arg7[%rem3A_289, %dma_wait3A_347, %dma_wait3A_348] : memref<4x1024x1024xbf16, #tpu.memory_space<vmem>> -> memref<1x128x1024xbf16, #tpu.memory_space<vmem>>
      %dma_wait3A_350 = tpu.memref_squeeze %dma_wait3A_349 : memref<1x128x1024xbf16, #tpu.memory_space<vmem>> -> memref<128x1024xbf16, #tpu.memory_space<vmem>>
      tpu.wait_dma2 semaphore(%dma_wait3A_344 : memref<!tpu.dma_semaphore, #tpu.memory_space<semaphore_mem>>) src(%dma_wait3A_350 : memref<128x1024xbf16, #tpu.memory_space<vmem>>) dst(%dma_wait3A_346 : memref<128x1024xbf16, #tpu.memory_space<any>>)
      %dma_wait3A_351 = arith.constant 5 : i32
      %dma_wait3A_352 = tpu.memref_slice %arg9[%rem3A_289, %dma_wait3A_351] : memref<4x8x!tpu.dma_semaphore, #tpu.memory_space<semaphore_mem>> -> memref<1x1x!tpu.dma_semaphore, #tpu.memory_space<semaphore_mem>>
      %dma_wait3A_353 = tpu.memref_squeeze %dma_wait3A_352 : memref<1x1x!tpu.dma_semaphore, #tpu.memory_space<semaphore_mem>> -> memref<!tpu.dma_semaphore, #tpu.memory_space<semaphore_mem>>
      %dma_wait3A_354 = arith.constant 640 : i32
      %dma_wait3A_355 = tpu.memref_slice %arg5[%dma_wait3A_354, %mul3A_301] : memref<1024x100001xbf16, #tpu.memory_space<any>> -> memref<128x1024xbf16, #tpu.memory_space<any>>
      %dma_wait3A_356 = arith.constant 640 : i32
      %dma_wait3A_357 = arith.constant 0 : i32
      %dma_wait3A_358 = tpu.memref_slice %arg7[%rem3A_289, %dma_wait3A_356, %dma_wait3A_357] : memref<4x1024x1024xbf16, #tpu.memory_space<vmem>> -> memref<1x128x1024xbf16, #tpu.memory_space<vmem>>
      %dma_wait3A_359 = tpu.memref_squeeze %dma_wait3A_358 : memref<1x128x1024xbf16, #tpu.memory_space<vmem>> -> memref<128x1024xbf16, #tpu.memory_space<vmem>>
      tpu.wait_dma2 semaphore(%dma_wait3A_353 : memref<!tpu.dma_semaphore, #tpu.memory_space<semaphore_mem>>) src(%dma_wait3A_359 : memref<128x1024xbf16, #tpu.memory_space<vmem>>) dst(%dma_wait3A_355 : memref<128x1024xbf16, #tpu.memory_space<any>>)
      %dma_wait3A_360 = arith.constant 6 : i32
      %dma_wait3A_361 = tpu.memref_slice %arg9[%rem3A_289, %dma_wait3A_360] : memref<4x8x!tpu.dma_semaphore, #tpu.memory_space<semaphore_mem>> -> memref<1x1x!tpu.dma_semaphore, #tpu.memory_space<semaphore_mem>>
      %dma_wait3A_362 = tpu.memref_squeeze %dma_wait3A_361 : memref<1x1x!tpu.dma_semaphore, #tpu.memory_space<semaphore_mem>> -> memref<!tpu.dma_semaphore, #tpu.memory_space<semaphore_mem>>
      %dma_wait3A_363 = arith.constant 768 : i32
      %dma_wait3A_364 = tpu.memref_slice %arg5[%dma_wait3A_363, %mul3A_303] : memref<1024x100001xbf16, #tpu.memory_space<any>> -> memref<128x1024xbf16, #tpu.memory_space<any>>
      %dma_wait3A_365 = arith.constant 768 : i32
      %dma_wait3A_366 = arith.constant 0 : i32
      %dma_wait3A_367 = tpu.memref_slice %arg7[%rem3A_289, %dma_wait3A_365, %dma_wait3A_366] : memref<4x1024x1024xbf16, #tpu.memory_space<vmem>> -> memref<1x128x1024xbf16, #tpu.memory_space<vmem>>
      %dma_wait3A_368 = tpu.memref_squeeze %dma_wait3A_367 : memref<1x128x1024xbf16, #tpu.memory_space<vmem>> -> memref<128x1024xbf16, #tpu.memory_space<vmem>>
      tpu.wait_dma2 semaphore(%dma_wait3A_362 : memref<!tpu.dma_semaphore, #tpu.memory_space<semaphore_mem>>) src(%dma_wait3A_368 : memref<128x1024xbf16, #tpu.memory_space<vmem>>) dst(%dma_wait3A_364 : memref<128x1024xbf16, #tpu.memory_space<any>>)
      %dma_wait3A_369 = arith.constant 7 : i32
      %dma_wait3A_370 = tpu.memref_slice %arg9[%rem3A_289, %dma_wait3A_369] : memref<4x8x!tpu.dma_semaphore, #tpu.memory_space<semaphore_mem>> -> memref<1x1x!tpu.dma_semaphore, #tpu.memory_space<semaphore_mem>>
      %dma_wait3A_371 = tpu.memref_squeeze %dma_wait3A_370 : memref<1x1x!tpu.dma_semaphore, #tpu.memory_space<semaphore_mem>> -> memref<!tpu.dma_semaphore, #tpu.memory_space<semaphore_mem>>
      %dma_wait3A_372 = arith.constant 896 : i32
      %dma_wait3A_373 = tpu.memref_slice %arg5[%dma_wait3A_372, %mul3A_305] : memref<1024x100001xbf16, #tpu.memory_space<any>> -> memref<128x1024xbf16, #tpu.memory_space<any>>
      %dma_wait3A_374 = arith.constant 896 : i32
      %dma_wait3A_375 = arith.constant 0 : i32
      %dma_wait3A_376 = tpu.memref_slice %arg7[%rem3A_289, %dma_wait3A_374, %dma_wait3A_375] : memref<4x1024x1024xbf16, #tpu.memory_space<vmem>> -> memref<1x128x1024xbf16, #tpu.memory_space<vmem>>
      %dma_wait3A_377 = tpu.memref_squeeze %dma_wait3A_376 : memref<1x128x1024xbf16, #tpu.memory_space<vmem>> -> memref<128x1024xbf16, #tpu.memory_space<vmem>>
      tpu.wait_dma2 semaphore(%dma_wait3A_371 : memref<!tpu.dma_semaphore, #tpu.memory_space<semaphore_mem>>) src(%dma_wait3A_377 : memref<128x1024xbf16, #tpu.memory_space<vmem>>) dst(%dma_wait3A_373 : memref<128x1024xbf16, #tpu.memory_space<any>>)
    } else {
    }
    %rem3A = arith.constant 4 : i32
    %rem3A_12 = arith.remsi %arg0, %rem3A : i32
    %mul3A = arith.constant 1024 : i32
    %mul3A_13 = arith.muli %arg0, %mul3A : i32
    %mul3A_14 = arith.constant 1024 : i32
    %mul3A_15 = arith.muli %arg0, %mul3A_14 : i32
    %mul3A_16 = arith.constant 1024 : i32
    %mul3A_17 = arith.muli %arg0, %mul3A_16 : i32
    %mul3A_18 = arith.constant 1024 : i32
    %mul3A_19 = arith.muli %arg0, %mul3A_18 : i32
    %mul3A_20 = arith.constant 1024 : i32
    %mul3A_21 = arith.muli %arg0, %mul3A_20 : i32
    %mul3A_22 = arith.constant 1024 : i32
    %mul3A_23 = arith.muli %arg0, %mul3A_22 : i32
    %mul3A_24 = arith.constant 1024 : i32
    %mul3A_25 = arith.muli %arg0, %mul3A_24 : i32
    %mul3A_26 = arith.constant 1024 : i32
    %mul3A_27 = arith.muli %arg0, %mul3A_26 : i32
    %dma_wait3A = arith.constant 0 : i32
    %dma_wait3A_28 = arith.constant 0 : i32
    %dma_wait3A_29 = arith.constant 0 : i32
    %dma_wait3A_30 = tpu.memref_slice %arg8[%rem3A_12, %dma_wait3A_29] : memref<4x8x!tpu.dma_semaphore, #tpu.memory_space<semaphore_mem>> -> memref<1x1x!tpu.dma_semaphore, #tpu.memory_space<semaphore_mem>>
    %dma_wait3A_31 = tpu.memref_squeeze %dma_wait3A_30 : memref<1x1x!tpu.dma_semaphore, #tpu.memory_space<semaphore_mem>> -> memref<!tpu.dma_semaphore, #tpu.memory_space<semaphore_mem>>
    %dma_wait3A_32 = arith.constant 0 : i32
    %dma_wait3A_33 = arith.constant 0 : i32
    %dma_wait3A_34 = tpu.memref_slice %arg6[%rem3A_12, %dma_wait3A_28, %dma_wait3A_32, %dma_wait3A_33] : memref<4x8x1024x128xbf16, #tpu.memory_space<vmem>> -> memref<1x1x1024x128xbf16, #tpu.memory_space<vmem>>
    %dma_wait3A_35 = tpu.memref_squeeze %dma_wait3A_34 : memref<1x1x1024x128xbf16, #tpu.memory_space<vmem>> -> memref<1024x128xbf16, #tpu.memory_space<vmem>>
    %dma_wait3A_36 = arith.constant 0 : i32
    %dma_wait3A_37 = tpu.memref_slice %arg4[%dma_wait3A, %mul3A_13, %dma_wait3A_36] : memref<8x100001x128xbf16, #tpu.memory_space<any>> -> memref<1x1024x128xbf16, #tpu.memory_space<any>>
    %dma_wait3A_38 = tpu.memref_squeeze %dma_wait3A_37 : memref<1x1024x128xbf16, #tpu.memory_space<any>> -> memref<1024x128xbf16, #tpu.memory_space<any>>
    tpu.wait_dma2 semaphore(%dma_wait3A_31 : memref<!tpu.dma_semaphore, #tpu.memory_space<semaphore_mem>>) src(%dma_wait3A_38 : memref<1024x128xbf16, #tpu.memory_space<any>>) dst(%dma_wait3A_35 : memref<1024x128xbf16, #tpu.memory_space<vmem>>)
    %dma_wait3A_39 = arith.constant 1 : i32
    %dma_wait3A_40 = arith.constant 1 : i32
    %dma_wait3A_41 = arith.constant 1 : i32
    %dma_wait3A_42 = tpu.memref_slice %arg8[%rem3A_12, %dma_wait3A_41] : memref<4x8x!tpu.dma_semaphore, #tpu.memory_space<semaphore_mem>> -> memref<1x1x!tpu.dma_semaphore, #tpu.memory_space<semaphore_mem>>
    %dma_wait3A_43 = tpu.memref_squeeze %dma_wait3A_42 : memref<1x1x!tpu.dma_semaphore, #tpu.memory_space<semaphore_mem>> -> memref<!tpu.dma_semaphore, #tpu.memory_space<semaphore_mem>>
    %dma_wait3A_44 = arith.constant 0 : i32
    %dma_wait3A_45 = arith.constant 0 : i32
    %dma_wait3A_46 = tpu.memref_slice %arg6[%rem3A_12, %dma_wait3A_40, %dma_wait3A_44, %dma_wait3A_45] : memref<4x8x1024x128xbf16, #tpu.memory_space<vmem>> -> memref<1x1x1024x128xbf16, #tpu.memory_space<vmem>>
    %dma_wait3A_47 = tpu.memref_squeeze %dma_wait3A_46 : memref<1x1x1024x128xbf16, #tpu.memory_space<vmem>> -> memref<1024x128xbf16, #tpu.memory_space<vmem>>
    %dma_wait3A_48 = arith.constant 0 : i32
    %dma_wait3A_49 = tpu.memref_slice %arg4[%dma_wait3A_39, %mul3A_15, %dma_wait3A_48] : memref<8x100001x128xbf16, #tpu.memory_space<any>> -> memref<1x1024x128xbf16, #tpu.memory_space<any>>
    %dma_wait3A_50 = tpu.memref_squeeze %dma_wait3A_49 : memref<1x1024x128xbf16, #tpu.memory_space<any>> -> memref<1024x128xbf16, #tpu.memory_space<any>>
    tpu.wait_dma2 semaphore(%dma_wait3A_43 : memref<!tpu.dma_semaphore, #tpu.memory_space<semaphore_mem>>) src(%dma_wait3A_50 : memref<1024x128xbf16, #tpu.memory_space<any>>) dst(%dma_wait3A_47 : memref<1024x128xbf16, #tpu.memory_space<vmem>>)
    %dma_wait3A_51 = arith.constant 2 : i32
    %dma_wait3A_52 = arith.constant 2 : i32
    %dma_wait3A_53 = arith.constant 2 : i32
    %dma_wait3A_54 = tpu.memref_slice %arg8[%rem3A_12, %dma_wait3A_53] : memref<4x8x!tpu.dma_semaphore, #tpu.memory_space<semaphore_mem>> -> memref<1x1x!tpu.dma_semaphore, #tpu.memory_space<semaphore_mem>>
    %dma_wait3A_55 = tpu.memref_squeeze %dma_wait3A_54 : memref<1x1x!tpu.dma_semaphore, #tpu.memory_space<semaphore_mem>> -> memref<!tpu.dma_semaphore, #tpu.memory_space<semaphore_mem>>
    %dma_wait3A_56 = arith.constant 0 : i32
    %dma_wait3A_57 = arith.constant 0 : i32
    %dma_wait3A_58 = tpu.memref_slice %arg6[%rem3A_12, %dma_wait3A_52, %dma_wait3A_56, %dma_wait3A_57] : memref<4x8x1024x128xbf16, #tpu.memory_space<vmem>> -> memref<1x1x1024x128xbf16, #tpu.memory_space<vmem>>
    %dma_wait3A_59 = tpu.memref_squeeze %dma_wait3A_58 : memref<1x1x1024x128xbf16, #tpu.memory_space<vmem>> -> memref<1024x128xbf16, #tpu.memory_space<vmem>>
    %dma_wait3A_60 = arith.constant 0 : i32
    %dma_wait3A_61 = tpu.memref_slice %arg4[%dma_wait3A_51, %mul3A_17, %dma_wait3A_60] : memref<8x100001x128xbf16, #tpu.memory_space<any>> -> memref<1x1024x128xbf16, #tpu.memory_space<any>>
    %dma_wait3A_62 = tpu.memref_squeeze %dma_wait3A_61 : memref<1x1024x128xbf16, #tpu.memory_space<any>> -> memref<1024x128xbf16, #tpu.memory_space<any>>
    tpu.wait_dma2 semaphore(%dma_wait3A_55 : memref<!tpu.dma_semaphore, #tpu.memory_space<semaphore_mem>>) src(%dma_wait3A_62 : memref<1024x128xbf16, #tpu.memory_space<any>>) dst(%dma_wait3A_59 : memref<1024x128xbf16, #tpu.memory_space<vmem>>)
    %dma_wait3A_63 = arith.constant 3 : i32
    %dma_wait3A_64 = arith.constant 3 : i32
    %dma_wait3A_65 = arith.constant 3 : i32
    %dma_wait3A_66 = tpu.memref_slice %arg8[%rem3A_12, %dma_wait3A_65] : memref<4x8x!tpu.dma_semaphore, #tpu.memory_space<semaphore_mem>> -> memref<1x1x!tpu.dma_semaphore, #tpu.memory_space<semaphore_mem>>
    %dma_wait3A_67 = tpu.memref_squeeze %dma_wait3A_66 : memref<1x1x!tpu.dma_semaphore, #tpu.memory_space<semaphore_mem>> -> memref<!tpu.dma_semaphore, #tpu.memory_space<semaphore_mem>>
    %dma_wait3A_68 = arith.constant 0 : i32
    %dma_wait3A_69 = arith.constant 0 : i32
    %dma_wait3A_70 = tpu.memref_slice %arg6[%rem3A_12, %dma_wait3A_64, %dma_wait3A_68, %dma_wait3A_69] : memref<4x8x1024x128xbf16, #tpu.memory_space<vmem>> -> memref<1x1x1024x128xbf16, #tpu.memory_space<vmem>>
    %dma_wait3A_71 = tpu.memref_squeeze %dma_wait3A_70 : memref<1x1x1024x128xbf16, #tpu.memory_space<vmem>> -> memref<1024x128xbf16, #tpu.memory_space<vmem>>
    %dma_wait3A_72 = arith.constant 0 : i32
    %dma_wait3A_73 = tpu.memref_slice %arg4[%dma_wait3A_63, %mul3A_19, %dma_wait3A_72] : memref<8x100001x128xbf16, #tpu.memory_space<any>> -> memref<1x1024x128xbf16, #tpu.memory_space<any>>
    %dma_wait3A_74 = tpu.memref_squeeze %dma_wait3A_73 : memref<1x1024x128xbf16, #tpu.memory_space<any>> -> memref<1024x128xbf16, #tpu.memory_space<any>>
    tpu.wait_dma2 semaphore(%dma_wait3A_67 : memref<!tpu.dma_semaphore, #tpu.memory_space<semaphore_mem>>) src(%dma_wait3A_74 : memref<1024x128xbf16, #tpu.memory_space<any>>) dst(%dma_wait3A_71 : memref<1024x128xbf16, #tpu.memory_space<vmem>>)
    %dma_wait3A_75 = arith.constant 4 : i32
    %dma_wait3A_76 = arith.constant 4 : i32
    %dma_wait3A_77 = arith.constant 4 : i32
    %dma_wait3A_78 = tpu.memref_slice %arg8[%rem3A_12, %dma_wait3A_77] : memref<4x8x!tpu.dma_semaphore, #tpu.memory_space<semaphore_mem>> -> memref<1x1x!tpu.dma_semaphore, #tpu.memory_space<semaphore_mem>>
    %dma_wait3A_79 = tpu.memref_squeeze %dma_wait3A_78 : memref<1x1x!tpu.dma_semaphore, #tpu.memory_space<semaphore_mem>> -> memref<!tpu.dma_semaphore, #tpu.memory_space<semaphore_mem>>
    %dma_wait3A_80 = arith.constant 0 : i32
    %dma_wait3A_81 = arith.constant 0 : i32
    %dma_wait3A_82 = tpu.memref_slice %arg6[%rem3A_12, %dma_wait3A_76, %dma_wait3A_80, %dma_wait3A_81] : memref<4x8x1024x128xbf16, #tpu.memory_space<vmem>> -> memref<1x1x1024x128xbf16, #tpu.memory_space<vmem>>
    %dma_wait3A_83 = tpu.memref_squeeze %dma_wait3A_82 : memref<1x1x1024x128xbf16, #tpu.memory_space<vmem>> -> memref<1024x128xbf16, #tpu.memory_space<vmem>>
    %dma_wait3A_84 = arith.constant 0 : i32
    %dma_wait3A_85 = tpu.memref_slice %arg4[%dma_wait3A_75, %mul3A_21, %dma_wait3A_84] : memref<8x100001x128xbf16, #tpu.memory_space<any>> -> memref<1x1024x128xbf16, #tpu.memory_space<any>>
    %dma_wait3A_86 = tpu.memref_squeeze %dma_wait3A_85 : memref<1x1024x128xbf16, #tpu.memory_space<any>> -> memref<1024x128xbf16, #tpu.memory_space<any>>
    tpu.wait_dma2 semaphore(%dma_wait3A_79 : memref<!tpu.dma_semaphore, #tpu.memory_space<semaphore_mem>>) src(%dma_wait3A_86 : memref<1024x128xbf16, #tpu.memory_space<any>>) dst(%dma_wait3A_83 : memref<1024x128xbf16, #tpu.memory_space<vmem>>)
    %dma_wait3A_87 = arith.constant 5 : i32
    %dma_wait3A_88 = arith.constant 5 : i32
    %dma_wait3A_89 = arith.constant 5 : i32
    %dma_wait3A_90 = tpu.memref_slice %arg8[%rem3A_12, %dma_wait3A_89] : memref<4x8x!tpu.dma_semaphore, #tpu.memory_space<semaphore_mem>> -> memref<1x1x!tpu.dma_semaphore, #tpu.memory_space<semaphore_mem>>
    %dma_wait3A_91 = tpu.memref_squeeze %dma_wait3A_90 : memref<1x1x!tpu.dma_semaphore, #tpu.memory_space<semaphore_mem>> -> memref<!tpu.dma_semaphore, #tpu.memory_space<semaphore_mem>>
    %dma_wait3A_92 = arith.constant 0 : i32
    %dma_wait3A_93 = arith.constant 0 : i32
    %dma_wait3A_94 = tpu.memref_slice %arg6[%rem3A_12, %dma_wait3A_88, %dma_wait3A_92, %dma_wait3A_93] : memref<4x8x1024x128xbf16, #tpu.memory_space<vmem>> -> memref<1x1x1024x128xbf16, #tpu.memory_space<vmem>>
    %dma_wait3A_95 = tpu.memref_squeeze %dma_wait3A_94 : memref<1x1x1024x128xbf16, #tpu.memory_space<vmem>> -> memref<1024x128xbf16, #tpu.memory_space<vmem>>
    %dma_wait3A_96 = arith.constant 0 : i32
    %dma_wait3A_97 = tpu.memref_slice %arg4[%dma_wait3A_87, %mul3A_23, %dma_wait3A_96] : memref<8x100001x128xbf16, #tpu.memory_space<any>> -> memref<1x1024x128xbf16, #tpu.memory_space<any>>
    %dma_wait3A_98 = tpu.memref_squeeze %dma_wait3A_97 : memref<1x1024x128xbf16, #tpu.memory_space<any>> -> memref<1024x128xbf16, #tpu.memory_space<any>>
    tpu.wait_dma2 semaphore(%dma_wait3A_91 : memref<!tpu.dma_semaphore, #tpu.memory_space<semaphore_mem>>) src(%dma_wait3A_98 : memref<1024x128xbf16, #tpu.memory_space<any>>) dst(%dma_wait3A_95 : memref<1024x128xbf16, #tpu.memory_space<vmem>>)
    %dma_wait3A_99 = arith.constant 6 : i32
    %dma_wait3A_100 = arith.constant 6 : i32
    %dma_wait3A_101 = arith.constant 6 : i32
    %dma_wait3A_102 = tpu.memref_slice %arg8[%rem3A_12, %dma_wait3A_101] : memref<4x8x!tpu.dma_semaphore, #tpu.memory_space<semaphore_mem>> -> memref<1x1x!tpu.dma_semaphore, #tpu.memory_space<semaphore_mem>>
    %dma_wait3A_103 = tpu.memref_squeeze %dma_wait3A_102 : memref<1x1x!tpu.dma_semaphore, #tpu.memory_space<semaphore_mem>> -> memref<!tpu.dma_semaphore, #tpu.memory_space<semaphore_mem>>
    %dma_wait3A_104 = arith.constant 0 : i32
    %dma_wait3A_105 = arith.constant 0 : i32
    %dma_wait3A_106 = tpu.memref_slice %arg6[%rem3A_12, %dma_wait3A_100, %dma_wait3A_104, %dma_wait3A_105] : memref<4x8x1024x128xbf16, #tpu.memory_space<vmem>> -> memref<1x1x1024x128xbf16, #tpu.memory_space<vmem>>
    %dma_wait3A_107 = tpu.memref_squeeze %dma_wait3A_106 : memref<1x1x1024x128xbf16, #tpu.memory_space<vmem>> -> memref<1024x128xbf16, #tpu.memory_space<vmem>>
    %dma_wait3A_108 = arith.constant 0 : i32
    %dma_wait3A_109 = tpu.memref_slice %arg4[%dma_wait3A_99, %mul3A_25, %dma_wait3A_108] : memref<8x100001x128xbf16, #tpu.memory_space<any>> -> memref<1x1024x128xbf16, #tpu.memory_space<any>>
    %dma_wait3A_110 = tpu.memref_squeeze %dma_wait3A_109 : memref<1x1024x128xbf16, #tpu.memory_space<any>> -> memref<1024x128xbf16, #tpu.memory_space<any>>
    tpu.wait_dma2 semaphore(%dma_wait3A_103 : memref<!tpu.dma_semaphore, #tpu.memory_space<semaphore_mem>>) src(%dma_wait3A_110 : memref<1024x128xbf16, #tpu.memory_space<any>>) dst(%dma_wait3A_107 : memref<1024x128xbf16, #tpu.memory_space<vmem>>)
    %dma_wait3A_111 = arith.constant 7 : i32
    %dma_wait3A_112 = arith.constant 7 : i32
    %dma_wait3A_113 = arith.constant 7 : i32
    %dma_wait3A_114 = tpu.memref_slice %arg8[%rem3A_12, %dma_wait3A_113] : memref<4x8x!tpu.dma_semaphore, #tpu.memory_space<semaphore_mem>> -> memref<1x1x!tpu.dma_semaphore, #tpu.memory_space<semaphore_mem>>
    %dma_wait3A_115 = tpu.memref_squeeze %dma_wait3A_114 : memref<1x1x!tpu.dma_semaphore, #tpu.memory_space<semaphore_mem>> -> memref<!tpu.dma_semaphore, #tpu.memory_space<semaphore_mem>>
    %dma_wait3A_116 = arith.constant 0 : i32
    %dma_wait3A_117 = arith.constant 0 : i32
    %dma_wait3A_118 = tpu.memref_slice %arg6[%rem3A_12, %dma_wait3A_112, %dma_wait3A_116, %dma_wait3A_117] : memref<4x8x1024x128xbf16, #tpu.memory_space<vmem>> -> memref<1x1x1024x128xbf16, #tpu.memory_space<vmem>>
    %dma_wait3A_119 = tpu.memref_squeeze %dma_wait3A_118 : memref<1x1x1024x128xbf16, #tpu.memory_space<vmem>> -> memref<1024x128xbf16, #tpu.memory_space<vmem>>
    %dma_wait3A_120 = arith.constant 0 : i32
    %dma_wait3A_121 = tpu.memref_slice %arg4[%dma_wait3A_111, %mul3A_27, %dma_wait3A_120] : memref<8x100001x128xbf16, #tpu.memory_space<any>> -> memref<1x1024x128xbf16, #tpu.memory_space<any>>
    %dma_wait3A_122 = tpu.memref_squeeze %dma_wait3A_121 : memref<1x1024x128xbf16, #tpu.memory_space<any>> -> memref<1024x128xbf16, #tpu.memory_space<any>>
    tpu.wait_dma2 semaphore(%dma_wait3A_115 : memref<!tpu.dma_semaphore, #tpu.memory_space<semaphore_mem>>) src(%dma_wait3A_122 : memref<1024x128xbf16, #tpu.memory_space<any>>) dst(%dma_wait3A_119 : memref<1024x128xbf16, #tpu.memory_space<vmem>>)
    %get3A = arith.constant 0 : index
    %get3A_123 = arith.constant 0 : index
    %get3A_124 = vector.load %arg3[%get3A, %get3A_123] : memref<1024x8xbf16, #tpu.memory_space<vmem>>, vector<1024x8xbf16>
    %get3A_125 = arith.constant 0 : index
    %get3A_126 = arith.constant 0 : index
    %get3A_127 = vector.load %arg2[%get3A_125, %get3A_126] : memref<8x1024xf32, #tpu.memory_space<vmem>>, vector<8x1024xf32>
    %convert_element_type3A_128 = arith.truncf %get3A_127 : vector<8x1024xf32> to vector<8x1024xbf16>
    %dot_general3A = arith.constant dense<0.000000e+00> : vector<1024x1024xf32>
    %dot_general3A_129 = tpu.matmul %get3A_124, %convert_element_type3A_128, %dot_general3A {dimension_numbers = #tpu.dot_dimension_numbers<[1], [0], [0], [1], [0, 0, 1, 1], [], []>, transpose_lhs_hint = false} : vector<1024x8xbf16>, vector<8x1024xbf16>, vector<1024x1024xf32> -> vector<1024x1024xf32>
    %rem3A_130 = arith.constant 4 : i32
    %rem3A_131 = arith.remsi %arg0, %rem3A_130 : i32
    %get3A_132 = arith.index_cast %rem3A_131 : i32 to index
    %get3A_133 = arith.constant 0 : index
    %get3A_134 = arith.constant 0 : index
    %get3A_135 = arith.constant 0 : index
    %get3A_136 = vector.load %arg6[%get3A_132, %get3A_133, %get3A_134, %get3A_135] : memref<4x8x1024x128xbf16, #tpu.memory_space<vmem>>, vector<1x1x1024x128xbf16>
    %get3A_137 = vector.shape_cast %get3A_136 : vector<1x1x1024x128xbf16> to vector<1024x128xbf16>
    %get3A_138 = arith.index_cast %rem3A_131 : i32 to index
    %get3A_139 = arith.constant 1 : index
    %get3A_140 = arith.constant 0 : index
    %get3A_141 = arith.constant 0 : index
    %get3A_142 = vector.load %arg6[%get3A_138, %get3A_139, %get3A_140, %get3A_141] : memref<4x8x1024x128xbf16, #tpu.memory_space<vmem>>, vector<1x1x1024x128xbf16>
    %get3A_143 = vector.shape_cast %get3A_142 : vector<1x1x1024x128xbf16> to vector<1024x128xbf16>
    %get3A_144 = arith.index_cast %rem3A_131 : i32 to index
    %get3A_145 = arith.constant 2 : index
    %get3A_146 = arith.constant 0 : index
    %get3A_147 = arith.constant 0 : index
    %get3A_148 = vector.load %arg6[%get3A_144, %get3A_145, %get3A_146, %get3A_147] : memref<4x8x1024x128xbf16, #tpu.memory_space<vmem>>, vector<1x1x1024x128xbf16>
    %get3A_149 = vector.shape_cast %get3A_148 : vector<1x1x1024x128xbf16> to vector<1024x128xbf16>
    %get3A_150 = arith.index_cast %rem3A_131 : i32 to index
    %get3A_151 = arith.constant 3 : index
    %get3A_152 = arith.constant 0 : index
    %get3A_153 = arith.constant 0 : index
    %get3A_154 = vector.load %arg6[%get3A_150, %get3A_151, %get3A_152, %get3A_153] : memref<4x8x1024x128xbf16, #tpu.memory_space<vmem>>, vector<1x1x1024x128xbf16>
    %get3A_155 = vector.shape_cast %get3A_154 : vector<1x1x1024x128xbf16> to vector<1024x128xbf16>
    %get3A_156 = arith.index_cast %rem3A_131 : i32 to index
    %get3A_157 = arith.constant 4 : index
    %get3A_158 = arith.constant 0 : index
    %get3A_159 = arith.constant 0 : index
    %get3A_160 = vector.load %arg6[%get3A_156, %get3A_157, %get3A_158, %get3A_159] : memref<4x8x1024x128xbf16, #tpu.memory_space<vmem>>, vector<1x1x1024x128xbf16>
    %get3A_161 = vector.shape_cast %get3A_160 : vector<1x1x1024x128xbf16> to vector<1024x128xbf16>
    %get3A_162 = arith.index_cast %rem3A_131 : i32 to index
    %get3A_163 = arith.constant 5 : index
    %get3A_164 = arith.constant 0 : index
    %get3A_165 = arith.constant 0 : index
    %get3A_166 = vector.load %arg6[%get3A_162, %get3A_163, %get3A_164, %get3A_165] : memref<4x8x1024x128xbf16, #tpu.memory_space<vmem>>, vector<1x1x1024x128xbf16>
    %get3A_167 = vector.shape_cast %get3A_166 : vector<1x1x1024x128xbf16> to vector<1024x128xbf16>
    %get3A_168 = arith.index_cast %rem3A_131 : i32 to index
    %get3A_169 = arith.constant 6 : index
    %get3A_170 = arith.constant 0 : index
    %get3A_171 = arith.constant 0 : index
    %get3A_172 = vector.load %arg6[%get3A_168, %get3A_169, %get3A_170, %get3A_171] : memref<4x8x1024x128xbf16, #tpu.memory_space<vmem>>, vector<1x1x1024x128xbf16>
    %get3A_173 = vector.shape_cast %get3A_172 : vector<1x1x1024x128xbf16> to vector<1024x128xbf16>
    %get3A_174 = arith.index_cast %rem3A_131 : i32 to index
    %get3A_175 = arith.constant 7 : index
    %get3A_176 = arith.constant 0 : index
    %get3A_177 = arith.constant 0 : index
    %get3A_178 = vector.load %arg6[%get3A_174, %get3A_175, %get3A_176, %get3A_177] : memref<4x8x1024x128xbf16, #tpu.memory_space<vmem>>, vector<1x1x1024x128xbf16>
    %get3A_179 = vector.shape_cast %get3A_178 : vector<1x1x1024x128xbf16> to vector<1024x128xbf16>
    %concatenate3A = tpu.concatenate %get3A_137, %get3A_143, %get3A_149, %get3A_155, %get3A_161, %get3A_167, %get3A_173, %get3A_179 in 1 : vector<1024x128xbf16>, vector<1024x128xbf16>, vector<1024x128xbf16>, vector<1024x128xbf16>, vector<1024x128xbf16>, vector<1024x128xbf16>, vector<1024x128xbf16>, vector<1024x128xbf16> -> vector<1024x1024xbf16>
    %get3A_180 = arith.constant 0 : index
    %get3A_181 = arith.constant 0 : index
    %get3A_182 = vector.load %arg1[%get3A_180, %get3A_181] : memref<1024x1024xbf16, #tpu.memory_space<vmem>>, vector<1024x1024xbf16>
    %dot_general3A_183 = arith.constant dense<0.000000e+00> : vector<1024x1024xf32>
    %dot_general3A_184 = tpu.matmul %get3A_182, %concatenate3A, %dot_general3A_183 {dimension_numbers = #tpu.dot_dimension_numbers<[1], [1], [0], [0], [0, 0, 1, 0], [], []>, transpose_lhs_hint = false} : vector<1024x1024xbf16>, vector<1024x1024xbf16>, vector<1024x1024xf32> -> vector<1024x1024xf32>
    %add3A_185 = arith.addf %dot_general3A_129, %dot_general3A_184 : vector<1024x1024xf32>
    %convert_element_type3A_186 = arith.truncf %add3A_185 : vector<1024x1024xf32> to vector<1024x1024xbf16>
    %swap3A = arith.index_cast %rem3A_131 : i32 to index
    %swap3A_187 = arith.constant 0 : index
    %swap3A_188 = arith.constant 0 : index
    %swap3A_189 = vector.load %arg7[%swap3A, %swap3A_187, %swap3A_188] : memref<4x1024x1024xbf16, #tpu.memory_space<vmem>>, vector<1x1024x1024xbf16>
    %swap3A_190 = vector.shape_cast %swap3A_189 : vector<1x1024x1024xbf16> to vector<1024x1024xbf16>
    %swap3A_191 = vector.shape_cast %convert_element_type3A_186 : vector<1024x1024xbf16> to vector<1x1024x1024xbf16>
    tpu.vector_store %arg7[%swap3A, %swap3A_187, %swap3A_188], %swap3A_191 {strides = array<i32>} : memref<4x1024x1024xbf16, #tpu.memory_space<vmem>>, vector<1x1024x1024xbf16>,
    %rem3A_192 = arith.constant 4 : i32
    %rem3A_193 = arith.remsi %arg0, %rem3A_192 : i32
    %mul3A_194 = arith.constant 1024 : i32
    %mul3A_195 = arith.muli %arg0, %mul3A_194 : i32
    %mul3A_196 = arith.constant 1024 : i32
    %mul3A_197 = arith.muli %arg0, %mul3A_196 : i32
    %mul3A_198 = arith.constant 1024 : i32
    %mul3A_199 = arith.muli %arg0, %mul3A_198 : i32
    %mul3A_200 = arith.constant 1024 : i32
    %mul3A_201 = arith.muli %arg0, %mul3A_200 : i32
    %mul3A_202 = arith.constant 1024 : i32
    %mul3A_203 = arith.muli %arg0, %mul3A_202 : i32
    %mul3A_204 = arith.constant 1024 : i32
    %mul3A_205 = arith.muli %arg0, %mul3A_204 : i32
    %mul3A_206 = arith.constant 1024 : i32
    %mul3A_207 = arith.muli %arg0, %mul3A_206 : i32
    %mul3A_208 = arith.constant 1024 : i32
    %mul3A_209 = arith.muli %arg0, %mul3A_208 : i32
    %dma_start3A = arith.constant 0 : i32
    %dma_start3A_210 = tpu.memref_slice %arg9[%rem3A_193, %dma_start3A] : memref<4x8x!tpu.dma_semaphore, #tpu.memory_space<semaphore_mem>> -> memref<1x1x!tpu.dma_semaphore, #tpu.memory_space<semaphore_mem>>
    %dma_start3A_211 = tpu.memref_squeeze %dma_start3A_210 : memref<1x1x!tpu.dma_semaphore, #tpu.memory_space<semaphore_mem>> -> memref<!tpu.dma_semaphore, #tpu.memory_space<semaphore_mem>>
    %dma_start3A_212 = arith.constant 0 : i32
    %dma_start3A_213 = tpu.memref_slice %arg5[%dma_start3A_212, %mul3A_195] : memref<1024x100001xbf16, #tpu.memory_space<any>> -> memref<128x1024xbf16, #tpu.memory_space<any>>
    %dma_start3A_214 = arith.constant 0 : i32
    %dma_start3A_215 = arith.constant 0 : i32
    %dma_start3A_216 = tpu.memref_slice %arg7[%rem3A_193, %dma_start3A_214, %dma_start3A_215] : memref<4x1024x1024xbf16, #tpu.memory_space<vmem>> -> memref<1x128x1024xbf16, #tpu.memory_space<vmem>>
    %dma_start3A_217 = tpu.memref_squeeze %dma_start3A_216 : memref<1x128x1024xbf16, #tpu.memory_space<vmem>> -> memref<128x1024xbf16, #tpu.memory_space<vmem>>
    tpu.enqueue_dma source(%dma_start3A_217 : memref<128x1024xbf16, #tpu.memory_space<vmem>>) target(%dma_start3A_213 : memref<128x1024xbf16, #tpu.memory_space<any>>) target_semaphore(%dma_start3A_211 : memref<!tpu.dma_semaphore, #tpu.memory_space<semaphore_mem>>)
    %dma_start3A_218 = arith.constant 1 : i32
    %dma_start3A_219 = tpu.memref_slice %arg9[%rem3A_193, %dma_start3A_218] : memref<4x8x!tpu.dma_semaphore, #tpu.memory_space<semaphore_mem>> -> memref<1x1x!tpu.dma_semaphore, #tpu.memory_space<semaphore_mem>>
    %dma_start3A_220 = tpu.memref_squeeze %dma_start3A_219 : memref<1x1x!tpu.dma_semaphore, #tpu.memory_space<semaphore_mem>> -> memref<!tpu.dma_semaphore, #tpu.memory_space<semaphore_mem>>
    %dma_start3A_221 = arith.constant 128 : i32
    %dma_start3A_222 = tpu.memref_slice %arg5[%dma_start3A_221, %mul3A_197] : memref<1024x100001xbf16, #tpu.memory_space<any>> -> memref<128x1024xbf16, #tpu.memory_space<any>>
    %dma_start3A_223 = arith.constant 128 : i32
    %dma_start3A_224 = arith.constant 0 : i32
    %dma_start3A_225 = tpu.memref_slice %arg7[%rem3A_193, %dma_start3A_223, %dma_start3A_224] : memref<4x1024x1024xbf16, #tpu.memory_space<vmem>> -> memref<1x128x1024xbf16, #tpu.memory_space<vmem>>
    %dma_start3A_226 = tpu.memref_squeeze %dma_start3A_225 : memref<1x128x1024xbf16, #tpu.memory_space<vmem>> -> memref<128x1024xbf16, #tpu.memory_space<vmem>>
    tpu.enqueue_dma source(%dma_start3A_226 : memref<128x1024xbf16, #tpu.memory_space<vmem>>) target(%dma_start3A_222 : memref<128x1024xbf16, #tpu.memory_space<any>>) target_semaphore(%dma_start3A_220 : memref<!tpu.dma_semaphore, #tpu.memory_space<semaphore_mem>>)
    %dma_start3A_227 = arith.constant 2 : i32
    %dma_start3A_228 = tpu.memref_slice %arg9[%rem3A_193, %dma_start3A_227] : memref<4x8x!tpu.dma_semaphore, #tpu.memory_space<semaphore_mem>> -> memref<1x1x!tpu.dma_semaphore, #tpu.memory_space<semaphore_mem>>
    %dma_start3A_229 = tpu.memref_squeeze %dma_start3A_228 : memref<1x1x!tpu.dma_semaphore, #tpu.memory_space<semaphore_mem>> -> memref<!tpu.dma_semaphore, #tpu.memory_space<semaphore_mem>>
    %dma_start3A_230 = arith.constant 256 : i32
    %dma_start3A_231 = tpu.memref_slice %arg5[%dma_start3A_230, %mul3A_199] : memref<1024x100001xbf16, #tpu.memory_space<any>> -> memref<128x1024xbf16, #tpu.memory_space<any>>
    %dma_start3A_232 = arith.constant 256 : i32
    %dma_start3A_233 = arith.constant 0 : i32
    %dma_start3A_234 = tpu.memref_slice %arg7[%rem3A_193, %dma_start3A_232, %dma_start3A_233] : memref<4x1024x1024xbf16, #tpu.memory_space<vmem>> -> memref<1x128x1024xbf16, #tpu.memory_space<vmem>>
    %dma_start3A_235 = tpu.memref_squeeze %dma_start3A_234 : memref<1x128x1024xbf16, #tpu.memory_space<vmem>> -> memref<128x1024xbf16, #tpu.memory_space<vmem>>
    tpu.enqueue_dma source(%dma_start3A_235 : memref<128x1024xbf16, #tpu.memory_space<vmem>>) target(%dma_start3A_231 : memref<128x1024xbf16, #tpu.memory_space<any>>) target_semaphore(%dma_start3A_229 : memref<!tpu.dma_semaphore, #tpu.memory_space<semaphore_mem>>)
    %dma_start3A_236 = arith.constant 3 : i32
    %dma_start3A_237 = tpu.memref_slice %arg9[%rem3A_193, %dma_start3A_236] : memref<4x8x!tpu.dma_semaphore, #tpu.memory_space<semaphore_mem>> -> memref<1x1x!tpu.dma_semaphore, #tpu.memory_space<semaphore_mem>>
    %dma_start3A_238 = tpu.memref_squeeze %dma_start3A_237 : memref<1x1x!tpu.dma_semaphore, #tpu.memory_space<semaphore_mem>> -> memref<!tpu.dma_semaphore, #tpu.memory_space<semaphore_mem>>
    %dma_start3A_239 = arith.constant 384 : i32
    %dma_start3A_240 = tpu.memref_slice %arg5[%dma_start3A_239, %mul3A_201] : memref<1024x100001xbf16, #tpu.memory_space<any>> -> memref<128x1024xbf16, #tpu.memory_space<any>>
    %dma_start3A_241 = arith.constant 384 : i32
    %dma_start3A_242 = arith.constant 0 : i32
    %dma_start3A_243 = tpu.memref_slice %arg7[%rem3A_193, %dma_start3A_241, %dma_start3A_242] : memref<4x1024x1024xbf16, #tpu.memory_space<vmem>> -> memref<1x128x1024xbf16, #tpu.memory_space<vmem>>
    %dma_start3A_244 = tpu.memref_squeeze %dma_start3A_243 : memref<1x128x1024xbf16, #tpu.memory_space<vmem>> -> memref<128x1024xbf16, #tpu.memory_space<vmem>>
    tpu.enqueue_dma source(%dma_start3A_244 : memref<128x1024xbf16, #tpu.memory_space<vmem>>) target(%dma_start3A_240 : memref<128x1024xbf16, #tpu.memory_space<any>>) target_semaphore(%dma_start3A_238 : memref<!tpu.dma_semaphore, #tpu.memory_space<semaphore_mem>>)
    %dma_start3A_245 = arith.constant 4 : i32
    %dma_start3A_246 = tpu.memref_slice %arg9[%rem3A_193, %dma_start3A_245] : memref<4x8x!tpu.dma_semaphore, #tpu.memory_space<semaphore_mem>> -> memref<1x1x!tpu.dma_semaphore, #tpu.memory_space<semaphore_mem>>
    %dma_start3A_247 = tpu.memref_squeeze %dma_start3A_246 : memref<1x1x!tpu.dma_semaphore, #tpu.memory_space<semaphore_mem>> -> memref<!tpu.dma_semaphore, #tpu.memory_space<semaphore_mem>>
    %dma_start3A_248 = arith.constant 512 : i32
    %dma_start3A_249 = tpu.memref_slice %arg5[%dma_start3A_248, %mul3A_203] : memref<1024x100001xbf16, #tpu.memory_space<any>> -> memref<128x1024xbf16, #tpu.memory_space<any>>
    %dma_start3A_250 = arith.constant 512 : i32
    %dma_start3A_251 = arith.constant 0 : i32
    %dma_start3A_252 = tpu.memref_slice %arg7[%rem3A_193, %dma_start3A_250, %dma_start3A_251] : memref<4x1024x1024xbf16, #tpu.memory_space<vmem>> -> memref<1x128x1024xbf16, #tpu.memory_space<vmem>>
    %dma_start3A_253 = tpu.memref_squeeze %dma_start3A_252 : memref<1x128x1024xbf16, #tpu.memory_space<vmem>> -> memref<128x1024xbf16, #tpu.memory_space<vmem>>
    tpu.enqueue_dma source(%dma_start3A_253 : memref<128x1024xbf16, #tpu.memory_space<vmem>>) target(%dma_start3A_249 : memref<128x1024xbf16, #tpu.memory_space<any>>) target_semaphore(%dma_start3A_247 : memref<!tpu.dma_semaphore, #tpu.memory_space<semaphore_mem>>)
    %dma_start3A_254 = arith.constant 5 : i32
    %dma_start3A_255 = tpu.memref_slice %arg9[%rem3A_193, %dma_start3A_254] : memref<4x8x!tpu.dma_semaphore, #tpu.memory_space<semaphore_mem>> -> memref<1x1x!tpu.dma_semaphore, #tpu.memory_space<semaphore_mem>>
    %dma_start3A_256 = tpu.memref_squeeze %dma_start3A_255 : memref<1x1x!tpu.dma_semaphore, #tpu.memory_space<semaphore_mem>> -> memref<!tpu.dma_semaphore, #tpu.memory_space<semaphore_mem>>
    %dma_start3A_257 = arith.constant 640 : i32
    %dma_start3A_258 = tpu.memref_slice %arg5[%dma_start3A_257, %mul3A_205] : memref<1024x100001xbf16, #tpu.memory_space<any>> -> memref<128x1024xbf16, #tpu.memory_space<any>>
    %dma_start3A_259 = arith.constant 640 : i32
    %dma_start3A_260 = arith.constant 0 : i32
    %dma_start3A_261 = tpu.memref_slice %arg7[%rem3A_193, %dma_start3A_259, %dma_start3A_260] : memref<4x1024x1024xbf16, #tpu.memory_space<vmem>> -> memref<1x128x1024xbf16, #tpu.memory_space<vmem>>
    %dma_start3A_262 = tpu.memref_squeeze %dma_start3A_261 : memref<1x128x1024xbf16, #tpu.memory_space<vmem>> -> memref<128x1024xbf16, #tpu.memory_space<vmem>>
    tpu.enqueue_dma source(%dma_start3A_262 : memref<128x1024xbf16, #tpu.memory_space<vmem>>) target(%dma_start3A_258 : memref<128x1024xbf16, #tpu.memory_space<any>>) target_semaphore(%dma_start3A_256 : memref<!tpu.dma_semaphore, #tpu.memory_space<semaphore_mem>>)
    %dma_start3A_263 = arith.constant 6 : i32
    %dma_start3A_264 = tpu.memref_slice %arg9[%rem3A_193, %dma_start3A_263] : memref<4x8x!tpu.dma_semaphore, #tpu.memory_space<semaphore_mem>> -> memref<1x1x!tpu.dma_semaphore, #tpu.memory_space<semaphore_mem>>
    %dma_start3A_265 = tpu.memref_squeeze %dma_start3A_264 : memref<1x1x!tpu.dma_semaphore, #tpu.memory_space<semaphore_mem>> -> memref<!tpu.dma_semaphore, #tpu.memory_space<semaphore_mem>>
    %dma_start3A_266 = arith.constant 768 : i32
    %dma_start3A_267 = tpu.memref_slice %arg5[%dma_start3A_266, %mul3A_207] : memref<1024x100001xbf16, #tpu.memory_space<any>> -> memref<128x1024xbf16, #tpu.memory_space<any>>
    %dma_start3A_268 = arith.constant 768 : i32
    %dma_start3A_269 = arith.constant 0 : i32
    %dma_start3A_270 = tpu.memref_slice %arg7[%rem3A_193, %dma_start3A_268, %dma_start3A_269] : memref<4x1024x1024xbf16, #tpu.memory_space<vmem>> -> memref<1x128x1024xbf16, #tpu.memory_space<vmem>>
    %dma_start3A_271 = tpu.memref_squeeze %dma_start3A_270 : memref<1x128x1024xbf16, #tpu.memory_space<vmem>> -> memref<128x1024xbf16, #tpu.memory_space<vmem>>
    tpu.enqueue_dma source(%dma_start3A_271 : memref<128x1024xbf16, #tpu.memory_space<vmem>>) target(%dma_start3A_267 : memref<128x1024xbf16, #tpu.memory_space<any>>) target_semaphore(%dma_start3A_265 : memref<!tpu.dma_semaphore, #tpu.memory_space<semaphore_mem>>)
    %dma_start3A_272 = arith.constant 7 : i32
    %dma_start3A_273 = tpu.memref_slice %arg9[%rem3A_193, %dma_start3A_272] : memref<4x8x!tpu.dma_semaphore, #tpu.memory_space<semaphore_mem>> -> memref<1x1x!tpu.dma_semaphore, #tpu.memory_space<semaphore_mem>>
    %dma_start3A_274 = tpu.memref_squeeze %dma_start3A_273 : memref<1x1x!tpu.dma_semaphore, #tpu.memory_space<semaphore_mem>> -> memref<!tpu.dma_semaphore, #tpu.memory_space<semaphore_mem>>
    %dma_start3A_275 = arith.constant 896 : i32
    %dma_start3A_276 = tpu.memref_slice %arg5[%dma_start3A_275, %mul3A_209] : memref<1024x100001xbf16, #tpu.memory_space<any>> -> memref<128x1024xbf16, #tpu.memory_space<any>>
    %dma_start3A_277 = arith.constant 896 : i32
    %dma_start3A_278 = arith.constant 0 : i32
    %dma_start3A_279 = tpu.memref_slice %arg7[%rem3A_193, %dma_start3A_277, %dma_start3A_278] : memref<4x1024x1024xbf16, #tpu.memory_space<vmem>> -> memref<1x128x1024xbf16, #tpu.memory_space<vmem>>
    %dma_start3A_280 = tpu.memref_squeeze %dma_start3A_279 : memref<1x128x1024xbf16, #tpu.memory_space<vmem>> -> memref<128x1024xbf16, #tpu.memory_space<vmem>>
    tpu.enqueue_dma source(%dma_start3A_280 : memref<128x1024xbf16, #tpu.memory_space<vmem>>) target(%dma_start3A_276 : memref<128x1024xbf16, #tpu.memory_space<any>>) target_semaphore(%dma_start3A_274 : memref<!tpu.dma_semaphore, #tpu.memory_space<semaphore_mem>>)
    %eq3A_281 = arith.constant 96 : i32
    %eq3A_282 = arith.cmpi eq, %arg0, %eq3A_281 : i32
    %convert_element_type3A_283 = arith.extui %eq3A_282 : i1 to i32
    %cond3A_284 = arith.constant 0 : i32
    %cond3A_285 = arith.cmpi ne, %convert_element_type3A_283, %cond3A_284 : i32
    scf.if %cond3A_285 {
      %sub3A_286 = arith.constant 3 : i32
      %sub3A_287 = arith.subi %arg0, %sub3A_286 : i32
      %ge3A_288 = arith.constant 0 : i32
      %ge3A_289 = arith.cmpi sge, %sub3A_287, %ge3A_288 : i32
      %convert_element_type3A_290 = arith.extui %ge3A_289 : i1 to i32
      %cond3A_291 = arith.constant 0 : i32
      %cond3A_292 = arith.cmpi ne, %convert_element_type3A_290, %cond3A_291 : i32
      scf.if %cond3A_292 {
        %sub3A_314 = arith.constant 3 : i32
        %sub3A_315 = arith.subi %arg0, %sub3A_314 : i32
        %rem3A_316 = arith.constant 4 : i32
        %rem3A_317 = arith.remsi %sub3A_315, %rem3A_316 : i32
        %mul3A_318 = arith.constant 1024 : i32
        %mul3A_319 = arith.muli %sub3A_315, %mul3A_318 : i32
        %mul3A_320 = arith.constant 1024 : i32
        %mul3A_321 = arith.muli %sub3A_315, %mul3A_320 : i32
        %mul3A_322 = arith.constant 1024 : i32
        %mul3A_323 = arith.muli %sub3A_315, %mul3A_322 : i32
        %mul3A_324 = arith.constant 1024 : i32
        %mul3A_325 = arith.muli %sub3A_315, %mul3A_324 : i32
        %mul3A_326 = arith.constant 1024 : i32
        %mul3A_327 = arith.muli %sub3A_315, %mul3A_326 : i32
        %mul3A_328 = arith.constant 1024 : i32
        %mul3A_329 = arith.muli %sub3A_315, %mul3A_328 : i32
        %mul3A_330 = arith.constant 1024 : i32
        %mul3A_331 = arith.muli %sub3A_315, %mul3A_330 : i32
        %mul3A_332 = arith.constant 1024 : i32
        %mul3A_333 = arith.muli %sub3A_315, %mul3A_332 : i32
        %dma_wait3A_334 = arith.constant 0 : i32
        %dma_wait3A_335 = tpu.memref_slice %arg9[%rem3A_317, %dma_wait3A_334] : memref<4x8x!tpu.dma_semaphore, #tpu.memory_space<semaphore_mem>> -> memref<1x1x!tpu.dma_semaphore, #tpu.memory_space<semaphore_mem>>
        %dma_wait3A_336 = tpu.memref_squeeze %dma_wait3A_335 : memref<1x1x!tpu.dma_semaphore, #tpu.memory_space<semaphore_mem>> -> memref<!tpu.dma_semaphore, #tpu.memory_space<semaphore_mem>>
        %dma_wait3A_337 = arith.constant 0 : i32
        %dma_wait3A_338 = tpu.memref_slice %arg5[%dma_wait3A_337, %mul3A_319] : memref<1024x100001xbf16, #tpu.memory_space<any>> -> memref<128x1024xbf16, #tpu.memory_space<any>>
        %dma_wait3A_339 = arith.constant 0 : i32
        %dma_wait3A_340 = arith.constant 0 : i32
        %dma_wait3A_341 = tpu.memref_slice %arg7[%rem3A_317, %dma_wait3A_339, %dma_wait3A_340] : memref<4x1024x1024xbf16, #tpu.memory_space<vmem>> -> memref<1x128x1024xbf16, #tpu.memory_space<vmem>>
        %dma_wait3A_342 = tpu.memref_squeeze %dma_wait3A_341 : memref<1x128x1024xbf16, #tpu.memory_space<vmem>> -> memref<128x1024xbf16, #tpu.memory_space<vmem>>
        tpu.wait_dma2 semaphore(%dma_wait3A_336 : memref<!tpu.dma_semaphore, #tpu.memory_space<semaphore_mem>>) src(%dma_wait3A_342 : memref<128x1024xbf16, #tpu.memory_space<vmem>>) dst(%dma_wait3A_338 : memref<128x1024xbf16, #tpu.memory_space<any>>)
        %dma_wait3A_343 = arith.constant 1 : i32
        %dma_wait3A_344 = tpu.memref_slice %arg9[%rem3A_317, %dma_wait3A_343] : memref<4x8x!tpu.dma_semaphore, #tpu.memory_space<semaphore_mem>> -> memref<1x1x!tpu.dma_semaphore, #tpu.memory_space<semaphore_mem>>
        %dma_wait3A_345 = tpu.memref_squeeze %dma_wait3A_344 : memref<1x1x!tpu.dma_semaphore, #tpu.memory_space<semaphore_mem>> -> memref<!tpu.dma_semaphore, #tpu.memory_space<semaphore_mem>>
        %dma_wait3A_346 = arith.constant 128 : i32
        %dma_wait3A_347 = tpu.memref_slice %arg5[%dma_wait3A_346, %mul3A_321] : memref<1024x100001xbf16, #tpu.memory_space<any>> -> memref<128x1024xbf16, #tpu.memory_space<any>>
        %dma_wait3A_348 = arith.constant 128 : i32
        %dma_wait3A_349 = arith.constant 0 : i32
        %dma_wait3A_350 = tpu.memref_slice %arg7[%rem3A_317, %dma_wait3A_348, %dma_wait3A_349] : memref<4x1024x1024xbf16, #tpu.memory_space<vmem>> -> memref<1x128x1024xbf16, #tpu.memory_space<vmem>>
        %dma_wait3A_351 = tpu.memref_squeeze %dma_wait3A_350 : memref<1x128x1024xbf16, #tpu.memory_space<vmem>> -> memref<128x1024xbf16, #tpu.memory_space<vmem>>
        tpu.wait_dma2 semaphore(%dma_wait3A_345 : memref<!tpu.dma_semaphore, #tpu.memory_space<semaphore_mem>>) src(%dma_wait3A_351 : memref<128x1024xbf16, #tpu.memory_space<vmem>>) dst(%dma_wait3A_347 : memref<128x1024xbf16, #tpu.memory_space<any>>)
        %dma_wait3A_352 = arith.constant 2 : i32
        %dma_wait3A_353 = tpu.memref_slice %arg9[%rem3A_317, %dma_wait3A_352] : memref<4x8x!tpu.dma_semaphore, #tpu.memory_space<semaphore_mem>> -> memref<1x1x!tpu.dma_semaphore, #tpu.memory_space<semaphore_mem>>
        %dma_wait3A_354 = tpu.memref_squeeze %dma_wait3A_353 : memref<1x1x!tpu.dma_semaphore, #tpu.memory_space<semaphore_mem>> -> memref<!tpu.dma_semaphore, #tpu.memory_space<semaphore_mem>>
        %dma_wait3A_355 = arith.constant 256 : i32
        %dma_wait3A_356 = tpu.memref_slice %arg5[%dma_wait3A_355, %mul3A_323] : memref<1024x100001xbf16, #tpu.memory_space<any>> -> memref<128x1024xbf16, #tpu.memory_space<any>>
        %dma_wait3A_357 = arith.constant 256 : i32
        %dma_wait3A_358 = arith.constant 0 : i32
        %dma_wait3A_359 = tpu.memref_slice %arg7[%rem3A_317, %dma_wait3A_357, %dma_wait3A_358] : memref<4x1024x1024xbf16, #tpu.memory_space<vmem>> -> memref<1x128x1024xbf16, #tpu.memory_space<vmem>>
        %dma_wait3A_360 = tpu.memref_squeeze %dma_wait3A_359 : memref<1x128x1024xbf16, #tpu.memory_space<vmem>> -> memref<128x1024xbf16, #tpu.memory_space<vmem>>
        tpu.wait_dma2 semaphore(%dma_wait3A_354 : memref<!tpu.dma_semaphore, #tpu.memory_space<semaphore_mem>>) src(%dma_wait3A_360 : memref<128x1024xbf16, #tpu.memory_space<vmem>>) dst(%dma_wait3A_356 : memref<128x1024xbf16, #tpu.memory_space<any>>)
        %dma_wait3A_361 = arith.constant 3 : i32
        %dma_wait3A_362 = tpu.memref_slice %arg9[%rem3A_317, %dma_wait3A_361] : memref<4x8x!tpu.dma_semaphore, #tpu.memory_space<semaphore_mem>> -> memref<1x1x!tpu.dma_semaphore, #tpu.memory_space<semaphore_mem>>
        %dma_wait3A_363 = tpu.memref_squeeze %dma_wait3A_362 : memref<1x1x!tpu.dma_semaphore, #tpu.memory_space<semaphore_mem>> -> memref<!tpu.dma_semaphore, #tpu.memory_space<semaphore_mem>>
        %dma_wait3A_364 = arith.constant 384 : i32
        %dma_wait3A_365 = tpu.memref_slice %arg5[%dma_wait3A_364, %mul3A_325] : memref<1024x100001xbf16, #tpu.memory_space<any>> -> memref<128x1024xbf16, #tpu.memory_space<any>>
        %dma_wait3A_366 = arith.constant 384 : i32
        %dma_wait3A_367 = arith.constant 0 : i32
        %dma_wait3A_368 = tpu.memref_slice %arg7[%rem3A_317, %dma_wait3A_366, %dma_wait3A_367] : memref<4x1024x1024xbf16, #tpu.memory_space<vmem>> -> memref<1x128x1024xbf16, #tpu.memory_space<vmem>>
        %dma_wait3A_369 = tpu.memref_squeeze %dma_wait3A_368 : memref<1x128x1024xbf16, #tpu.memory_space<vmem>> -> memref<128x1024xbf16, #tpu.memory_space<vmem>>
        tpu.wait_dma2 semaphore(%dma_wait3A_363 : memref<!tpu.dma_semaphore, #tpu.memory_space<semaphore_mem>>) src(%dma_wait3A_369 : memref<128x1024xbf16, #tpu.memory_space<vmem>>) dst(%dma_wait3A_365 : memref<128x1024xbf16, #tpu.memory_space<any>>)
        %dma_wait3A_370 = arith.constant 4 : i32
        %dma_wait3A_371 = tpu.memref_slice %arg9[%rem3A_317, %dma_wait3A_370] : memref<4x8x!tpu.dma_semaphore, #tpu.memory_space<semaphore_mem>> -> memref<1x1x!tpu.dma_semaphore, #tpu.memory_space<semaphore_mem>>
        %dma_wait3A_372 = tpu.memref_squeeze %dma_wait3A_371 : memref<1x1x!tpu.dma_semaphore, #tpu.memory_space<semaphore_mem>> -> memref<!tpu.dma_semaphore, #tpu.memory_space<semaphore_mem>>
        %dma_wait3A_373 = arith.constant 512 : i32
        %dma_wait3A_374 = tpu.memref_slice %arg5[%dma_wait3A_373, %mul3A_327] : memref<1024x100001xbf16, #tpu.memory_space<any>> -> memref<128x1024xbf16, #tpu.memory_space<any>>
        %dma_wait3A_375 = arith.constant 512 : i32
        %dma_wait3A_376 = arith.constant 0 : i32
        %dma_wait3A_377 = tpu.memref_slice %arg7[%rem3A_317, %dma_wait3A_375, %dma_wait3A_376] : memref<4x1024x1024xbf16, #tpu.memory_space<vmem>> -> memref<1x128x1024xbf16, #tpu.memory_space<vmem>>
        %dma_wait3A_378 = tpu.memref_squeeze %dma_wait3A_377 : memref<1x128x1024xbf16, #tpu.memory_space<vmem>> -> memref<128x1024xbf16, #tpu.memory_space<vmem>>
        tpu.wait_dma2 semaphore(%dma_wait3A_372 : memref<!tpu.dma_semaphore, #tpu.memory_space<semaphore_mem>>) src(%dma_wait3A_378 : memref<128x1024xbf16, #tpu.memory_space<vmem>>) dst(%dma_wait3A_374 : memref<128x1024xbf16, #tpu.memory_space<any>>)
        %dma_wait3A_379 = arith.constant 5 : i32
        %dma_wait3A_380 = tpu.memref_slice %arg9[%rem3A_317, %dma_wait3A_379] : memref<4x8x!tpu.dma_semaphore, #tpu.memory_space<semaphore_mem>> -> memref<1x1x!tpu.dma_semaphore, #tpu.memory_space<semaphore_mem>>
        %dma_wait3A_381 = tpu.memref_squeeze %dma_wait3A_380 : memref<1x1x!tpu.dma_semaphore, #tpu.memory_space<semaphore_mem>> -> memref<!tpu.dma_semaphore, #tpu.memory_space<semaphore_mem>>
        %dma_wait3A_382 = arith.constant 640 : i32
        %dma_wait3A_383 = tpu.memref_slice %arg5[%dma_wait3A_382, %mul3A_329] : memref<1024x100001xbf16, #tpu.memory_space<any>> -> memref<128x1024xbf16, #tpu.memory_space<any>>
        %dma_wait3A_384 = arith.constant 640 : i32
        %dma_wait3A_385 = arith.constant 0 : i32
        %dma_wait3A_386 = tpu.memref_slice %arg7[%rem3A_317, %dma_wait3A_384, %dma_wait3A_385] : memref<4x1024x1024xbf16, #tpu.memory_space<vmem>> -> memref<1x128x1024xbf16, #tpu.memory_space<vmem>>
        %dma_wait3A_387 = tpu.memref_squeeze %dma_wait3A_386 : memref<1x128x1024xbf16, #tpu.memory_space<vmem>> -> memref<128x1024xbf16, #tpu.memory_space<vmem>>
        tpu.wait_dma2 semaphore(%dma_wait3A_381 : memref<!tpu.dma_semaphore, #tpu.memory_space<semaphore_mem>>) src(%dma_wait3A_387 : memref<128x1024xbf16, #tpu.memory_space<vmem>>) dst(%dma_wait3A_383 : memref<128x1024xbf16, #tpu.memory_space<any>>)
        %dma_wait3A_388 = arith.constant 6 : i32
        %dma_wait3A_389 = tpu.memref_slice %arg9[%rem3A_317, %dma_wait3A_388] : memref<4x8x!tpu.dma_semaphore, #tpu.memory_space<semaphore_mem>> -> memref<1x1x!tpu.dma_semaphore, #tpu.memory_space<semaphore_mem>>
        %dma_wait3A_390 = tpu.memref_squeeze %dma_wait3A_389 : memref<1x1x!tpu.dma_semaphore, #tpu.memory_space<semaphore_mem>> -> memref<!tpu.dma_semaphore, #tpu.memory_space<semaphore_mem>>
        %dma_wait3A_391 = arith.constant 768 : i32
        %dma_wait3A_392 = tpu.memref_slice %arg5[%dma_wait3A_391, %mul3A_331] : memref<1024x100001xbf16, #tpu.memory_space<any>> -> memref<128x1024xbf16, #tpu.memory_space<any>>
        %dma_wait3A_393 = arith.constant 768 : i32
        %dma_wait3A_394 = arith.constant 0 : i32
        %dma_wait3A_395 = tpu.memref_slice %arg7[%rem3A_317, %dma_wait3A_393, %dma_wait3A_394] : memref<4x1024x1024xbf16, #tpu.memory_space<vmem>> -> memref<1x128x1024xbf16, #tpu.memory_space<vmem>>
        %dma_wait3A_396 = tpu.memref_squeeze %dma_wait3A_395 : memref<1x128x1024xbf16, #tpu.memory_space<vmem>> -> memref<128x1024xbf16, #tpu.memory_space<vmem>>
        tpu.wait_dma2 semaphore(%dma_wait3A_390 : memref<!tpu.dma_semaphore, #tpu.memory_space<semaphore_mem>>) src(%dma_wait3A_396 : memref<128x1024xbf16, #tpu.memory_space<vmem>>) dst(%dma_wait3A_392 : memref<128x1024xbf16, #tpu.memory_space<any>>)
        %dma_wait3A_397 = arith.constant 7 : i32
        %dma_wait3A_398 = tpu.memref_slice %arg9[%rem3A_317, %dma_wait3A_397] : memref<4x8x!tpu.dma_semaphore, #tpu.memory_space<semaphore_mem>> -> memref<1x1x!tpu.dma_semaphore, #tpu.memory_space<semaphore_mem>>
        %dma_wait3A_399 = tpu.memref_squeeze %dma_wait3A_398 : memref<1x1x!tpu.dma_semaphore, #tpu.memory_space<semaphore_mem>> -> memref<!tpu.dma_semaphore, #tpu.memory_space<semaphore_mem>>
        %dma_wait3A_400 = arith.constant 896 : i32
        %dma_wait3A_401 = tpu.memref_slice %arg5[%dma_wait3A_400, %mul3A_333] : memref<1024x100001xbf16, #tpu.memory_space<any>> -> memref<128x1024xbf16, #tpu.memory_space<any>>
        %dma_wait3A_402 = arith.constant 896 : i32
        %dma_wait3A_403 = arith.constant 0 : i32
        %dma_wait3A_404 = tpu.memref_slice %arg7[%rem3A_317, %dma_wait3A_402, %dma_wait3A_403] : memref<4x1024x1024xbf16, #tpu.memory_space<vmem>> -> memref<1x128x1024xbf16, #tpu.memory_space<vmem>>
        %dma_wait3A_405 = tpu.memref_squeeze %dma_wait3A_404 : memref<1x128x1024xbf16, #tpu.memory_space<vmem>> -> memref<128x1024xbf16, #tpu.memory_space<vmem>>
        tpu.wait_dma2 semaphore(%dma_wait3A_399 : memref<!tpu.dma_semaphore, #tpu.memory_space<semaphore_mem>>) src(%dma_wait3A_405 : memref<128x1024xbf16, #tpu.memory_space<vmem>>) dst(%dma_wait3A_401 : memref<128x1024xbf16, #tpu.memory_space<any>>)
      } else {
      }
      %sub3A_293 = arith.constant 2 : i32
      %sub3A_294 = arith.subi %arg0, %sub3A_293 : i32
      %ge3A_295 = arith.constant 0 : i32
      %ge3A_296 = arith.cmpi sge, %sub3A_294, %ge3A_295 : i32
      %convert_element_type3A_297 = arith.extui %ge3A_296 : i1 to i32
      %cond3A_298 = arith.constant 0 : i32
      %cond3A_299 = arith.cmpi ne, %convert_element_type3A_297, %cond3A_298 : i32
      scf.if %cond3A_299 {
        %sub3A_314 = arith.constant 2 : i32
        %sub3A_315 = arith.subi %arg0, %sub3A_314 : i32
        %rem3A_316 = arith.constant 4 : i32
        %rem3A_317 = arith.remsi %sub3A_315, %rem3A_316 : i32
        %mul3A_318 = arith.constant 1024 : i32
        %mul3A_319 = arith.muli %sub3A_315, %mul3A_318 : i32
        %mul3A_320 = arith.constant 1024 : i32
        %mul3A_321 = arith.muli %sub3A_315, %mul3A_320 : i32
        %mul3A_322 = arith.constant 1024 : i32
        %mul3A_323 = arith.muli %sub3A_315, %mul3A_322 : i32
        %mul3A_324 = arith.constant 1024 : i32
        %mul3A_325 = arith.muli %sub3A_315, %mul3A_324 : i32
        %mul3A_326 = arith.constant 1024 : i32
        %mul3A_327 = arith.muli %sub3A_315, %mul3A_326 : i32
        %mul3A_328 = arith.constant 1024 : i32
        %mul3A_329 = arith.muli %sub3A_315, %mul3A_328 : i32
        %mul3A_330 = arith.constant 1024 : i32
        %mul3A_331 = arith.muli %sub3A_315, %mul3A_330 : i32
        %mul3A_332 = arith.constant 1024 : i32
        %mul3A_333 = arith.muli %sub3A_315, %mul3A_332 : i32
        %dma_wait3A_334 = arith.constant 0 : i32
        %dma_wait3A_335 = tpu.memref_slice %arg9[%rem3A_317, %dma_wait3A_334] : memref<4x8x!tpu.dma_semaphore, #tpu.memory_space<semaphore_mem>> -> memref<1x1x!tpu.dma_semaphore, #tpu.memory_space<semaphore_mem>>
        %dma_wait3A_336 = tpu.memref_squeeze %dma_wait3A_335 : memref<1x1x!tpu.dma_semaphore, #tpu.memory_space<semaphore_mem>> -> memref<!tpu.dma_semaphore, #tpu.memory_space<semaphore_mem>>
        %dma_wait3A_337 = arith.constant 0 : i32
        %dma_wait3A_338 = tpu.memref_slice %arg5[%dma_wait3A_337, %mul3A_319] : memref<1024x100001xbf16, #tpu.memory_space<any>> -> memref<128x1024xbf16, #tpu.memory_space<any>>
        %dma_wait3A_339 = arith.constant 0 : i32
        %dma_wait3A_340 = arith.constant 0 : i32
        %dma_wait3A_341 = tpu.memref_slice %arg7[%rem3A_317, %dma_wait3A_339, %dma_wait3A_340] : memref<4x1024x1024xbf16, #tpu.memory_space<vmem>> -> memref<1x128x1024xbf16, #tpu.memory_space<vmem>>
        %dma_wait3A_342 = tpu.memref_squeeze %dma_wait3A_341 : memref<1x128x1024xbf16, #tpu.memory_space<vmem>> -> memref<128x1024xbf16, #tpu.memory_space<vmem>>
        tpu.wait_dma2 semaphore(%dma_wait3A_336 : memref<!tpu.dma_semaphore, #tpu.memory_space<semaphore_mem>>) src(%dma_wait3A_342 : memref<128x1024xbf16, #tpu.memory_space<vmem>>) dst(%dma_wait3A_338 : memref<128x1024xbf16, #tpu.memory_space<any>>)
        %dma_wait3A_343 = arith.constant 1 : i32
        %dma_wait3A_344 = tpu.memref_slice %arg9[%rem3A_317, %dma_wait3A_343] : memref<4x8x!tpu.dma_semaphore, #tpu.memory_space<semaphore_mem>> -> memref<1x1x!tpu.dma_semaphore, #tpu.memory_space<semaphore_mem>>
        %dma_wait3A_345 = tpu.memref_squeeze %dma_wait3A_344 : memref<1x1x!tpu.dma_semaphore, #tpu.memory_space<semaphore_mem>> -> memref<!tpu.dma_semaphore, #tpu.memory_space<semaphore_mem>>
        %dma_wait3A_346 = arith.constant 128 : i32
        %dma_wait3A_347 = tpu.memref_slice %arg5[%dma_wait3A_346, %mul3A_321] : memref<1024x100001xbf16, #tpu.memory_space<any>> -> memref<128x1024xbf16, #tpu.memory_space<any>>
        %dma_wait3A_348 = arith.constant 128 : i32
        %dma_wait3A_349 = arith.constant 0 : i32
        %dma_wait3A_350 = tpu.memref_slice %arg7[%rem3A_317, %dma_wait3A_348, %dma_wait3A_349] : memref<4x1024x1024xbf16, #tpu.memory_space<vmem>> -> memref<1x128x1024xbf16, #tpu.memory_space<vmem>>
        %dma_wait3A_351 = tpu.memref_squeeze %dma_wait3A_350 : memref<1x128x1024xbf16, #tpu.memory_space<vmem>> -> memref<128x1024xbf16, #tpu.memory_space<vmem>>
        tpu.wait_dma2 semaphore(%dma_wait3A_345 : memref<!tpu.dma_semaphore, #tpu.memory_space<semaphore_mem>>) src(%dma_wait3A_351 : memref<128x1024xbf16, #tpu.memory_space<vmem>>) dst(%dma_wait3A_347 : memref<128x1024xbf16, #tpu.memory_space<any>>)
        %dma_wait3A_352 = arith.constant 2 : i32
        %dma_wait3A_353 = tpu.memref_slice %arg9[%rem3A_317, %dma_wait3A_352] : memref<4x8x!tpu.dma_semaphore, #tpu.memory_space<semaphore_mem>> -> memref<1x1x!tpu.dma_semaphore, #tpu.memory_space<semaphore_mem>>
        %dma_wait3A_354 = tpu.memref_squeeze %dma_wait3A_353 : memref<1x1x!tpu.dma_semaphore, #tpu.memory_space<semaphore_mem>> -> memref<!tpu.dma_semaphore, #tpu.memory_space<semaphore_mem>>
        %dma_wait3A_355 = arith.constant 256 : i32
        %dma_wait3A_356 = tpu.memref_slice %arg5[%dma_wait3A_355, %mul3A_323] : memref<1024x100001xbf16, #tpu.memory_space<any>> -> memref<128x1024xbf16, #tpu.memory_space<any>>
        %dma_wait3A_357 = arith.constant 256 : i32
        %dma_wait3A_358 = arith.constant 0 : i32
        %dma_wait3A_359 = tpu.memref_slice %arg7[%rem3A_317, %dma_wait3A_357, %dma_wait3A_358] : memref<4x1024x1024xbf16, #tpu.memory_space<vmem>> -> memref<1x128x1024xbf16, #tpu.memory_space<vmem>>
        %dma_wait3A_360 = tpu.memref_squeeze %dma_wait3A_359 : memref<1x128x1024xbf16, #tpu.memory_space<vmem>> -> memref<128x1024xbf16, #tpu.memory_space<vmem>>
        tpu.wait_dma2 semaphore(%dma_wait3A_354 : memref<!tpu.dma_semaphore, #tpu.memory_space<semaphore_mem>>) src(%dma_wait3A_360 : memref<128x1024xbf16, #tpu.memory_space<vmem>>) dst(%dma_wait3A_356 : memref<128x1024xbf16, #tpu.memory_space<any>>)
        %dma_wait3A_361 = arith.constant 3 : i32
        %dma_wait3A_362 = tpu.memref_slice %arg9[%rem3A_317, %dma_wait3A_361] : memref<4x8x!tpu.dma_semaphore, #tpu.memory_space<semaphore_mem>> -> memref<1x1x!tpu.dma_semaphore, #tpu.memory_space<semaphore_mem>>
        %dma_wait3A_363 = tpu.memref_squeeze %dma_wait3A_362 : memref<1x1x!tpu.dma_semaphore, #tpu.memory_space<semaphore_mem>> -> memref<!tpu.dma_semaphore, #tpu.memory_space<semaphore_mem>>
        %dma_wait3A_364 = arith.constant 384 : i32
        %dma_wait3A_365 = tpu.memref_slice %arg5[%dma_wait3A_364, %mul3A_325] : memref<1024x100001xbf16, #tpu.memory_space<any>> -> memref<128x1024xbf16, #tpu.memory_space<any>>
        %dma_wait3A_366 = arith.constant 384 : i32
        %dma_wait3A_367 = arith.constant 0 : i32
        %dma_wait3A_368 = tpu.memref_slice %arg7[%rem3A_317, %dma_wait3A_366, %dma_wait3A_367] : memref<4x1024x1024xbf16, #tpu.memory_space<vmem>> -> memref<1x128x1024xbf16, #tpu.memory_space<vmem>>
        %dma_wait3A_369 = tpu.memref_squeeze %dma_wait3A_368 : memref<1x128x1024xbf16, #tpu.memory_space<vmem>> -> memref<128x1024xbf16, #tpu.memory_space<vmem>>
        tpu.wait_dma2 semaphore(%dma_wait3A_363 : memref<!tpu.dma_semaphore, #tpu.memory_space<semaphore_mem>>) src(%dma_wait3A_369 : memref<128x1024xbf16, #tpu.memory_space<vmem>>) dst(%dma_wait3A_365 : memref<128x1024xbf16, #tpu.memory_space<any>>)
        %dma_wait3A_370 = arith.constant 4 : i32
        %dma_wait3A_371 = tpu.memref_slice %arg9[%rem3A_317, %dma_wait3A_370] : memref<4x8x!tpu.dma_semaphore, #tpu.memory_space<semaphore_mem>> -> memref<1x1x!tpu.dma_semaphore, #tpu.memory_space<semaphore_mem>>
        %dma_wait3A_372 = tpu.memref_squeeze %dma_wait3A_371 : memref<1x1x!tpu.dma_semaphore, #tpu.memory_space<semaphore_mem>> -> memref<!tpu.dma_semaphore, #tpu.memory_space<semaphore_mem>>
        %dma_wait3A_373 = arith.constant 512 : i32
        %dma_wait3A_374 = tpu.memref_slice %arg5[%dma_wait3A_373, %mul3A_327] : memref<1024x100001xbf16, #tpu.memory_space<any>> -> memref<128x1024xbf16, #tpu.memory_space<any>>
        %dma_wait3A_375 = arith.constant 512 : i32
        %dma_wait3A_376 = arith.constant 0 : i32
        %dma_wait3A_377 = tpu.memref_slice %arg7[%rem3A_317, %dma_wait3A_375, %dma_wait3A_376] : memref<4x1024x1024xbf16, #tpu.memory_space<vmem>> -> memref<1x128x1024xbf16, #tpu.memory_space<vmem>>
        %dma_wait3A_378 = tpu.memref_squeeze %dma_wait3A_377 : memref<1x128x1024xbf16, #tpu.memory_space<vmem>> -> memref<128x1024xbf16, #tpu.memory_space<vmem>>
        tpu.wait_dma2 semaphore(%dma_wait3A_372 : memref<!tpu.dma_semaphore, #tpu.memory_space<semaphore_mem>>) src(%dma_wait3A_378 : memref<128x1024xbf16, #tpu.memory_space<vmem>>) dst(%dma_wait3A_374 : memref<128x1024xbf16, #tpu.memory_space<any>>)
        %dma_wait3A_379 = arith.constant 5 : i32
        %dma_wait3A_380 = tpu.memref_slice %arg9[%rem3A_317, %dma_wait3A_379] : memref<4x8x!tpu.dma_semaphore, #tpu.memory_space<semaphore_mem>> -> memref<1x1x!tpu.dma_semaphore, #tpu.memory_space<semaphore_mem>>
        %dma_wait3A_381 = tpu.memref_squeeze %dma_wait3A_380 : memref<1x1x!tpu.dma_semaphore, #tpu.memory_space<semaphore_mem>> -> memref<!tpu.dma_semaphore, #tpu.memory_space<semaphore_mem>>
        %dma_wait3A_382 = arith.constant 640 : i32
        %dma_wait3A_383 = tpu.memref_slice %arg5[%dma_wait3A_382, %mul3A_329] : memref<1024x100001xbf16, #tpu.memory_space<any>> -> memref<128x1024xbf16, #tpu.memory_space<any>>
        %dma_wait3A_384 = arith.constant 640 : i32
        %dma_wait3A_385 = arith.constant 0 : i32
        %dma_wait3A_386 = tpu.memref_slice %arg7[%rem3A_317, %dma_wait3A_384, %dma_wait3A_385] : memref<4x1024x1024xbf16, #tpu.memory_space<vmem>> -> memref<1x128x1024xbf16, #tpu.memory_space<vmem>>
        %dma_wait3A_387 = tpu.memref_squeeze %dma_wait3A_386 : memref<1x128x1024xbf16, #tpu.memory_space<vmem>> -> memref<128x1024xbf16, #tpu.memory_space<vmem>>
        tpu.wait_dma2 semaphore(%dma_wait3A_381 : memref<!tpu.dma_semaphore, #tpu.memory_space<semaphore_mem>>) src(%dma_wait3A_387 : memref<128x1024xbf16, #tpu.memory_space<vmem>>) dst(%dma_wait3A_383 : memref<128x1024xbf16, #tpu.memory_space<any>>)
        %dma_wait3A_388 = arith.constant 6 : i32
        %dma_wait3A_389 = tpu.memref_slice %arg9[%rem3A_317, %dma_wait3A_388] : memref<4x8x!tpu.dma_semaphore, #tpu.memory_space<semaphore_mem>> -> memref<1x1x!tpu.dma_semaphore, #tpu.memory_space<semaphore_mem>>
        %dma_wait3A_390 = tpu.memref_squeeze %dma_wait3A_389 : memref<1x1x!tpu.dma_semaphore, #tpu.memory_space<semaphore_mem>> -> memref<!tpu.dma_semaphore, #tpu.memory_space<semaphore_mem>>
        %dma_wait3A_391 = arith.constant 768 : i32
        %dma_wait3A_392 = tpu.memref_slice %arg5[%dma_wait3A_391, %mul3A_331] : memref<1024x100001xbf16, #tpu.memory_space<any>> -> memref<128x1024xbf16, #tpu.memory_space<any>>
        %dma_wait3A_393 = arith.constant 768 : i32
        %dma_wait3A_394 = arith.constant 0 : i32
        %dma_wait3A_395 = tpu.memref_slice %arg7[%rem3A_317, %dma_wait3A_393, %dma_wait3A_394] : memref<4x1024x1024xbf16, #tpu.memory_space<vmem>> -> memref<1x128x1024xbf16, #tpu.memory_space<vmem>>
        %dma_wait3A_396 = tpu.memref_squeeze %dma_wait3A_395 : memref<1x128x1024xbf16, #tpu.memory_space<vmem>> -> memref<128x1024xbf16, #tpu.memory_space<vmem>>
        tpu.wait_dma2 semaphore(%dma_wait3A_390 : memref<!tpu.dma_semaphore, #tpu.memory_space<semaphore_mem>>) src(%dma_wait3A_396 : memref<128x1024xbf16, #tpu.memory_space<vmem>>) dst(%dma_wait3A_392 : memref<128x1024xbf16, #tpu.memory_space<any>>)
        %dma_wait3A_397 = arith.constant 7 : i32
        %dma_wait3A_398 = tpu.memref_slice %arg9[%rem3A_317, %dma_wait3A_397] : memref<4x8x!tpu.dma_semaphore, #tpu.memory_space<semaphore_mem>> -> memref<1x1x!tpu.dma_semaphore, #tpu.memory_space<semaphore_mem>>
        %dma_wait3A_399 = tpu.memref_squeeze %dma_wait3A_398 : memref<1x1x!tpu.dma_semaphore, #tpu.memory_space<semaphore_mem>> -> memref<!tpu.dma_semaphore, #tpu.memory_space<semaphore_mem>>
        %dma_wait3A_400 = arith.constant 896 : i32
        %dma_wait3A_401 = tpu.memref_slice %arg5[%dma_wait3A_400, %mul3A_333] : memref<1024x100001xbf16, #tpu.memory_space<any>> -> memref<128x1024xbf16, #tpu.memory_space<any>>
        %dma_wait3A_402 = arith.constant 896 : i32
        %dma_wait3A_403 = arith.constant 0 : i32
        %dma_wait3A_404 = tpu.memref_slice %arg7[%rem3A_317, %dma_wait3A_402, %dma_wait3A_403] : memref<4x1024x1024xbf16, #tpu.memory_space<vmem>> -> memref<1x128x1024xbf16, #tpu.memory_space<vmem>>
        %dma_wait3A_405 = tpu.memref_squeeze %dma_wait3A_404 : memref<1x128x1024xbf16, #tpu.memory_space<vmem>> -> memref<128x1024xbf16, #tpu.memory_space<vmem>>
        tpu.wait_dma2 semaphore(%dma_wait3A_399 : memref<!tpu.dma_semaphore, #tpu.memory_space<semaphore_mem>>) src(%dma_wait3A_405 : memref<128x1024xbf16, #tpu.memory_space<vmem>>) dst(%dma_wait3A_401 : memref<128x1024xbf16, #tpu.memory_space<any>>)
      } else {
      }
      %sub3A_300 = arith.constant 1 : i32
      %sub3A_301 = arith.subi %arg0, %sub3A_300 : i32
      %ge3A_302 = arith.constant 0 : i32
      %ge3A_303 = arith.cmpi sge, %sub3A_301, %ge3A_302 : i32
      %convert_element_type3A_304 = arith.extui %ge3A_303 : i1 to i32
      %cond3A_305 = arith.constant 0 : i32
      %cond3A_306 = arith.cmpi ne, %convert_element_type3A_304, %cond3A_305 : i32
      scf.if %cond3A_306 {
        %sub3A_314 = arith.constant 1 : i32
        %sub3A_315 = arith.subi %arg0, %sub3A_314 : i32
        %rem3A_316 = arith.constant 4 : i32
        %rem3A_317 = arith.remsi %sub3A_315, %rem3A_316 : i32
        %mul3A_318 = arith.constant 1024 : i32
        %mul3A_319 = arith.muli %sub3A_315, %mul3A_318 : i32
        %mul3A_320 = arith.constant 1024 : i32
        %mul3A_321 = arith.muli %sub3A_315, %mul3A_320 : i32
        %mul3A_322 = arith.constant 1024 : i32
        %mul3A_323 = arith.muli %sub3A_315, %mul3A_322 : i32
        %mul3A_324 = arith.constant 1024 : i32
        %mul3A_325 = arith.muli %sub3A_315, %mul3A_324 : i32
        %mul3A_326 = arith.constant 1024 : i32
        %mul3A_327 = arith.muli %sub3A_315, %mul3A_326 : i32
        %mul3A_328 = arith.constant 1024 : i32
        %mul3A_329 = arith.muli %sub3A_315, %mul3A_328 : i32
        %mul3A_330 = arith.constant 1024 : i32
        %mul3A_331 = arith.muli %sub3A_315, %mul3A_330 : i32
        %mul3A_332 = arith.constant 1024 : i32
        %mul3A_333 = arith.muli %sub3A_315, %mul3A_332 : i32
        %dma_wait3A_334 = arith.constant 0 : i32
        %dma_wait3A_335 = tpu.memref_slice %arg9[%rem3A_317, %dma_wait3A_334] : memref<4x8x!tpu.dma_semaphore, #tpu.memory_space<semaphore_mem>> -> memref<1x1x!tpu.dma_semaphore, #tpu.memory_space<semaphore_mem>>
        %dma_wait3A_336 = tpu.memref_squeeze %dma_wait3A_335 : memref<1x1x!tpu.dma_semaphore, #tpu.memory_space<semaphore_mem>> -> memref<!tpu.dma_semaphore, #tpu.memory_space<semaphore_mem>>
        %dma_wait3A_337 = arith.constant 0 : i32
        %dma_wait3A_338 = tpu.memref_slice %arg5[%dma_wait3A_337, %mul3A_319] : memref<1024x100001xbf16, #tpu.memory_space<any>> -> memref<128x1024xbf16, #tpu.memory_space<any>>
        %dma_wait3A_339 = arith.constant 0 : i32
        %dma_wait3A_340 = arith.constant 0 : i32
        %dma_wait3A_341 = tpu.memref_slice %arg7[%rem3A_317, %dma_wait3A_339, %dma_wait3A_340] : memref<4x1024x1024xbf16, #tpu.memory_space<vmem>> -> memref<1x128x1024xbf16, #tpu.memory_space<vmem>>
        %dma_wait3A_342 = tpu.memref_squeeze %dma_wait3A_341 : memref<1x128x1024xbf16, #tpu.memory_space<vmem>> -> memref<128x1024xbf16, #tpu.memory_space<vmem>>
        tpu.wait_dma2 semaphore(%dma_wait3A_336 : memref<!tpu.dma_semaphore, #tpu.memory_space<semaphore_mem>>) src(%dma_wait3A_342 : memref<128x1024xbf16, #tpu.memory_space<vmem>>) dst(%dma_wait3A_338 : memref<128x1024xbf16, #tpu.memory_space<any>>)
        %dma_wait3A_343 = arith.constant 1 : i32
        %dma_wait3A_344 = tpu.memref_slice %arg9[%rem3A_317, %dma_wait3A_343] : memref<4x8x!tpu.dma_semaphore, #tpu.memory_space<semaphore_mem>> -> memref<1x1x!tpu.dma_semaphore, #tpu.memory_space<semaphore_mem>>
        %dma_wait3A_345 = tpu.memref_squeeze %dma_wait3A_344 : memref<1x1x!tpu.dma_semaphore, #tpu.memory_space<semaphore_mem>> -> memref<!tpu.dma_semaphore, #tpu.memory_space<semaphore_mem>>
        %dma_wait3A_346 = arith.constant 128 : i32
        %dma_wait3A_347 = tpu.memref_slice %arg5[%dma_wait3A_346, %mul3A_321] : memref<1024x100001xbf16, #tpu.memory_space<any>> -> memref<128x1024xbf16, #tpu.memory_space<any>>
        %dma_wait3A_348 = arith.constant 128 : i32
        %dma_wait3A_349 = arith.constant 0 : i32
        %dma_wait3A_350 = tpu.memref_slice %arg7[%rem3A_317, %dma_wait3A_348, %dma_wait3A_349] : memref<4x1024x1024xbf16, #tpu.memory_space<vmem>> -> memref<1x128x1024xbf16, #tpu.memory_space<vmem>>
        %dma_wait3A_351 = tpu.memref_squeeze %dma_wait3A_350 : memref<1x128x1024xbf16, #tpu.memory_space<vmem>> -> memref<128x1024xbf16, #tpu.memory_space<vmem>>
        tpu.wait_dma2 semaphore(%dma_wait3A_345 : memref<!tpu.dma_semaphore, #tpu.memory_space<semaphore_mem>>) src(%dma_wait3A_351 : memref<128x1024xbf16, #tpu.memory_space<vmem>>) dst(%dma_wait3A_347 : memref<128x1024xbf16, #tpu.memory_space<any>>)
        %dma_wait3A_352 = arith.constant 2 : i32
        %dma_wait3A_353 = tpu.memref_slice %arg9[%rem3A_317, %dma_wait3A_352] : memref<4x8x!tpu.dma_semaphore, #tpu.memory_space<semaphore_mem>> -> memref<1x1x!tpu.dma_semaphore, #tpu.memory_space<semaphore_mem>>
        %dma_wait3A_354 = tpu.memref_squeeze %dma_wait3A_353 : memref<1x1x!tpu.dma_semaphore, #tpu.memory_space<semaphore_mem>> -> memref<!tpu.dma_semaphore, #tpu.memory_space<semaphore_mem>>
        %dma_wait3A_355 = arith.constant 256 : i32
        %dma_wait3A_356 = tpu.memref_slice %arg5[%dma_wait3A_355, %mul3A_323] : memref<1024x100001xbf16, #tpu.memory_space<any>> -> memref<128x1024xbf16, #tpu.memory_space<any>>
        %dma_wait3A_357 = arith.constant 256 : i32
        %dma_wait3A_358 = arith.constant 0 : i32
        %dma_wait3A_359 = tpu.memref_slice %arg7[%rem3A_317, %dma_wait3A_357, %dma_wait3A_358] : memref<4x1024x1024xbf16, #tpu.memory_space<vmem>> -> memref<1x128x1024xbf16, #tpu.memory_space<vmem>>
        %dma_wait3A_360 = tpu.memref_squeeze %dma_wait3A_359 : memref<1x128x1024xbf16, #tpu.memory_space<vmem>> -> memref<128x1024xbf16, #tpu.memory_space<vmem>>
        tpu.wait_dma2 semaphore(%dma_wait3A_354 : memref<!tpu.dma_semaphore, #tpu.memory_space<semaphore_mem>>) src(%dma_wait3A_360 : memref<128x1024xbf16, #tpu.memory_space<vmem>>) dst(%dma_wait3A_356 : memref<128x1024xbf16, #tpu.memory_space<any>>)
        %dma_wait3A_361 = arith.constant 3 : i32
        %dma_wait3A_362 = tpu.memref_slice %arg9[%rem3A_317, %dma_wait3A_361] : memref<4x8x!tpu.dma_semaphore, #tpu.memory_space<semaphore_mem>> -> memref<1x1x!tpu.dma_semaphore, #tpu.memory_space<semaphore_mem>>
        %dma_wait3A_363 = tpu.memref_squeeze %dma_wait3A_362 : memref<1x1x!tpu.dma_semaphore, #tpu.memory_space<semaphore_mem>> -> memref<!tpu.dma_semaphore, #tpu.memory_space<semaphore_mem>>
        %dma_wait3A_364 = arith.constant 384 : i32
        %dma_wait3A_365 = tpu.memref_slice %arg5[%dma_wait3A_364, %mul3A_325] : memref<1024x100001xbf16, #tpu.memory_space<any>> -> memref<128x1024xbf16, #tpu.memory_space<any>>
        %dma_wait3A_366 = arith.constant 384 : i32
        %dma_wait3A_367 = arith.constant 0 : i32
        %dma_wait3A_368 = tpu.memref_slice %arg7[%rem3A_317, %dma_wait3A_366, %dma_wait3A_367] : memref<4x1024x1024xbf16, #tpu.memory_space<vmem>> -> memref<1x128x1024xbf16, #tpu.memory_space<vmem>>
        %dma_wait3A_369 = tpu.memref_squeeze %dma_wait3A_368 : memref<1x128x1024xbf16, #tpu.memory_space<vmem>> -> memref<128x1024xbf16, #tpu.memory_space<vmem>>
        tpu.wait_dma2 semaphore(%dma_wait3A_363 : memref<!tpu.dma_semaphore, #tpu.memory_space<semaphore_mem>>) src(%dma_wait3A_369 : memref<128x1024xbf16, #tpu.memory_space<vmem>>) dst(%dma_wait3A_365 : memref<128x1024xbf16, #tpu.memory_space<any>>)
        %dma_wait3A_370 = arith.constant 4 : i32
        %dma_wait3A_371 = tpu.memref_slice %arg9[%rem3A_317, %dma_wait3A_370] : memref<4x8x!tpu.dma_semaphore, #tpu.memory_space<semaphore_mem>> -> memref<1x1x!tpu.dma_semaphore, #tpu.memory_space<semaphore_mem>>
        %dma_wait3A_372 = tpu.memref_squeeze %dma_wait3A_371 : memref<1x1x!tpu.dma_semaphore, #tpu.memory_space<semaphore_mem>> -> memref<!tpu.dma_semaphore, #tpu.memory_space<semaphore_mem>>
        %dma_wait3A_373 = arith.constant 512 : i32
        %dma_wait3A_374 = tpu.memref_slice %arg5[%dma_wait3A_373, %mul3A_327] : memref<1024x100001xbf16, #tpu.memory_space<any>> -> memref<128x1024xbf16, #tpu.memory_space<any>>
        %dma_wait3A_375 = arith.constant 512 : i32
        %dma_wait3A_376 = arith.constant 0 : i32
        %dma_wait3A_377 = tpu.memref_slice %arg7[%rem3A_317, %dma_wait3A_375, %dma_wait3A_376] : memref<4x1024x1024xbf16, #tpu.memory_space<vmem>> -> memref<1x128x1024xbf16, #tpu.memory_space<vmem>>
        %dma_wait3A_378 = tpu.memref_squeeze %dma_wait3A_377 : memref<1x128x1024xbf16, #tpu.memory_space<vmem>> -> memref<128x1024xbf16, #tpu.memory_space<vmem>>
        tpu.wait_dma2 semaphore(%dma_wait3A_372 : memref<!tpu.dma_semaphore, #tpu.memory_space<semaphore_mem>>) src(%dma_wait3A_378 : memref<128x1024xbf16, #tpu.memory_space<vmem>>) dst(%dma_wait3A_374 : memref<128x1024xbf16, #tpu.memory_space<any>>)
        %dma_wait3A_379 = arith.constant 5 : i32
        %dma_wait3A_380 = tpu.memref_slice %arg9[%rem3A_317, %dma_wait3A_379] : memref<4x8x!tpu.dma_semaphore, #tpu.memory_space<semaphore_mem>> -> memref<1x1x!tpu.dma_semaphore, #tpu.memory_space<semaphore_mem>>
        %dma_wait3A_381 = tpu.memref_squeeze %dma_wait3A_380 : memref<1x1x!tpu.dma_semaphore, #tpu.memory_space<semaphore_mem>> -> memref<!tpu.dma_semaphore, #tpu.memory_space<semaphore_mem>>
        %dma_wait3A_382 = arith.constant 640 : i32
        %dma_wait3A_383 = tpu.memref_slice %arg5[%dma_wait3A_382, %mul3A_329] : memref<1024x100001xbf16, #tpu.memory_space<any>> -> memref<128x1024xbf16, #tpu.memory_space<any>>
        %dma_wait3A_384 = arith.constant 640 : i32
        %dma_wait3A_385 = arith.constant 0 : i32
        %dma_wait3A_386 = tpu.memref_slice %arg7[%rem3A_317, %dma_wait3A_384, %dma_wait3A_385] : memref<4x1024x1024xbf16, #tpu.memory_space<vmem>> -> memref<1x128x1024xbf16, #tpu.memory_space<vmem>>
        %dma_wait3A_387 = tpu.memref_squeeze %dma_wait3A_386 : memref<1x128x1024xbf16, #tpu.memory_space<vmem>> -> memref<128x1024xbf16, #tpu.memory_space<vmem>>
        tpu.wait_dma2 semaphore(%dma_wait3A_381 : memref<!tpu.dma_semaphore, #tpu.memory_space<semaphore_mem>>) src(%dma_wait3A_387 : memref<128x1024xbf16, #tpu.memory_space<vmem>>) dst(%dma_wait3A_383 : memref<128x1024xbf16, #tpu.memory_space<any>>)
        %dma_wait3A_388 = arith.constant 6 : i32
        %dma_wait3A_389 = tpu.memref_slice %arg9[%rem3A_317, %dma_wait3A_388] : memref<4x8x!tpu.dma_semaphore, #tpu.memory_space<semaphore_mem>> -> memref<1x1x!tpu.dma_semaphore, #tpu.memory_space<semaphore_mem>>
        %dma_wait3A_390 = tpu.memref_squeeze %dma_wait3A_389 : memref<1x1x!tpu.dma_semaphore, #tpu.memory_space<semaphore_mem>> -> memref<!tpu.dma_semaphore, #tpu.memory_space<semaphore_mem>>
        %dma_wait3A_391 = arith.constant 768 : i32
        %dma_wait3A_392 = tpu.memref_slice %arg5[%dma_wait3A_391, %mul3A_331] : memref<1024x100001xbf16, #tpu.memory_space<any>> -> memref<128x1024xbf16, #tpu.memory_space<any>>
        %dma_wait3A_393 = arith.constant 768 : i32
        %dma_wait3A_394 = arith.constant 0 : i32
        %dma_wait3A_395 = tpu.memref_slice %arg7[%rem3A_317, %dma_wait3A_393, %dma_wait3A_394] : memref<4x1024x1024xbf16, #tpu.memory_space<vmem>> -> memref<1x128x1024xbf16, #tpu.memory_space<vmem>>
        %dma_wait3A_396 = tpu.memref_squeeze %dma_wait3A_395 : memref<1x128x1024xbf16, #tpu.memory_space<vmem>> -> memref<128x1024xbf16, #tpu.memory_space<vmem>>
        tpu.wait_dma2 semaphore(%dma_wait3A_390 : memref<!tpu.dma_semaphore, #tpu.memory_space<semaphore_mem>>) src(%dma_wait3A_396 : memref<128x1024xbf16, #tpu.memory_space<vmem>>) dst(%dma_wait3A_392 : memref<128x1024xbf16, #tpu.memory_space<any>>)
        %dma_wait3A_397 = arith.constant 7 : i32
        %dma_wait3A_398 = tpu.memref_slice %arg9[%rem3A_317, %dma_wait3A_397] : memref<4x8x!tpu.dma_semaphore, #tpu.memory_space<semaphore_mem>> -> memref<1x1x!tpu.dma_semaphore, #tpu.memory_space<semaphore_mem>>
        %dma_wait3A_399 = tpu.memref_squeeze %dma_wait3A_398 : memref<1x1x!tpu.dma_semaphore, #tpu.memory_space<semaphore_mem>> -> memref<!tpu.dma_semaphore, #tpu.memory_space<semaphore_mem>>
        %dma_wait3A_400 = arith.constant 896 : i32
        %dma_wait3A_401 = tpu.memref_slice %arg5[%dma_wait3A_400, %mul3A_333] : memref<1024x100001xbf16, #tpu.memory_space<any>> -> memref<128x1024xbf16, #tpu.memory_space<any>>
        %dma_wait3A_402 = arith.constant 896 : i32
        %dma_wait3A_403 = arith.constant 0 : i32
        %dma_wait3A_404 = tpu.memref_slice %arg7[%rem3A_317, %dma_wait3A_402, %dma_wait3A_403] : memref<4x1024x1024xbf16, #tpu.memory_space<vmem>> -> memref<1x128x1024xbf16, #tpu.memory_space<vmem>>
        %dma_wait3A_405 = tpu.memref_squeeze %dma_wait3A_404 : memref<1x128x1024xbf16, #tpu.memory_space<vmem>> -> memref<128x1024xbf16, #tpu.memory_space<vmem>>
        tpu.wait_dma2 semaphore(%dma_wait3A_399 : memref<!tpu.dma_semaphore, #tpu.memory_space<semaphore_mem>>) src(%dma_wait3A_405 : memref<128x1024xbf16, #tpu.memory_space<vmem>>) dst(%dma_wait3A_401 : memref<128x1024xbf16, #tpu.memory_space<any>>)
      } else {
      }
      %sub3A_307 = arith.constant 0 : i32
      %sub3A_308 = arith.subi %arg0, %sub3A_307 : i32
      %ge3A_309 = arith.constant 0 : i32
      %ge3A_310 = arith.cmpi sge, %sub3A_308, %ge3A_309 : i32
      %convert_element_type3A_311 = arith.extui %ge3A_310 : i1 to i32
      %cond3A_312 = arith.constant 0 : i32
      %cond3A_313 = arith.cmpi ne, %convert_element_type3A_311, %cond3A_312 : i32
      scf.if %cond3A_313 {
        %sub3A_314 = arith.constant 0 : i32
        %sub3A_315 = arith.subi %arg0, %sub3A_314 : i32
        %rem3A_316 = arith.constant 4 : i32
        %rem3A_317 = arith.remsi %sub3A_315, %rem3A_316 : i32
        %mul3A_318 = arith.constant 1024 : i32
        %mul3A_319 = arith.muli %sub3A_315, %mul3A_318 : i32
        %mul3A_320 = arith.constant 1024 : i32
        %mul3A_321 = arith.muli %sub3A_315, %mul3A_320 : i32
        %mul3A_322 = arith.constant 1024 : i32
        %mul3A_323 = arith.muli %sub3A_315, %mul3A_322 : i32
        %mul3A_324 = arith.constant 1024 : i32
        %mul3A_325 = arith.muli %sub3A_315, %mul3A_324 : i32
        %mul3A_326 = arith.constant 1024 : i32
        %mul3A_327 = arith.muli %sub3A_315, %mul3A_326 : i32
        %mul3A_328 = arith.constant 1024 : i32
        %mul3A_329 = arith.muli %sub3A_315, %mul3A_328 : i32
        %mul3A_330 = arith.constant 1024 : i32
        %mul3A_331 = arith.muli %sub3A_315, %mul3A_330 : i32
        %mul3A_332 = arith.constant 1024 : i32
        %mul3A_333 = arith.muli %sub3A_315, %mul3A_332 : i32
        %dma_wait3A_334 = arith.constant 0 : i32
        %dma_wait3A_335 = tpu.memref_slice %arg9[%rem3A_317, %dma_wait3A_334] : memref<4x8x!tpu.dma_semaphore, #tpu.memory_space<semaphore_mem>> -> memref<1x1x!tpu.dma_semaphore, #tpu.memory_space<semaphore_mem>>
        %dma_wait3A_336 = tpu.memref_squeeze %dma_wait3A_335 : memref<1x1x!tpu.dma_semaphore, #tpu.memory_space<semaphore_mem>> -> memref<!tpu.dma_semaphore, #tpu.memory_space<semaphore_mem>>
        %dma_wait3A_337 = arith.constant 0 : i32
        %dma_wait3A_338 = tpu.memref_slice %arg5[%dma_wait3A_337, %mul3A_319] : memref<1024x100001xbf16, #tpu.memory_space<any>> -> memref<128x1024xbf16, #tpu.memory_space<any>>
        %dma_wait3A_339 = arith.constant 0 : i32
        %dma_wait3A_340 = arith.constant 0 : i32
        %dma_wait3A_341 = tpu.memref_slice %arg7[%rem3A_317, %dma_wait3A_339, %dma_wait3A_340] : memref<4x1024x1024xbf16, #tpu.memory_space<vmem>> -> memref<1x128x1024xbf16, #tpu.memory_space<vmem>>
        %dma_wait3A_342 = tpu.memref_squeeze %dma_wait3A_341 : memref<1x128x1024xbf16, #tpu.memory_space<vmem>> -> memref<128x1024xbf16, #tpu.memory_space<vmem>>
        tpu.wait_dma2 semaphore(%dma_wait3A_336 : memref<!tpu.dma_semaphore, #tpu.memory_space<semaphore_mem>>) src(%dma_wait3A_342 : memref<128x1024xbf16, #tpu.memory_space<vmem>>) dst(%dma_wait3A_338 : memref<128x1024xbf16, #tpu.memory_space<any>>)
        %dma_wait3A_343 = arith.constant 1 : i32
        %dma_wait3A_344 = tpu.memref_slice %arg9[%rem3A_317, %dma_wait3A_343] : memref<4x8x!tpu.dma_semaphore, #tpu.memory_space<semaphore_mem>> -> memref<1x1x!tpu.dma_semaphore, #tpu.memory_space<semaphore_mem>>
        %dma_wait3A_345 = tpu.memref_squeeze %dma_wait3A_344 : memref<1x1x!tpu.dma_semaphore, #tpu.memory_space<semaphore_mem>> -> memref<!tpu.dma_semaphore, #tpu.memory_space<semaphore_mem>>
        %dma_wait3A_346 = arith.constant 128 : i32
        %dma_wait3A_347 = tpu.memref_slice %arg5[%dma_wait3A_346, %mul3A_321] : memref<1024x100001xbf16, #tpu.memory_space<any>> -> memref<128x1024xbf16, #tpu.memory_space<any>>
        %dma_wait3A_348 = arith.constant 128 : i32
        %dma_wait3A_349 = arith.constant 0 : i32
        %dma_wait3A_350 = tpu.memref_slice %arg7[%rem3A_317, %dma_wait3A_348, %dma_wait3A_349] : memref<4x1024x1024xbf16, #tpu.memory_space<vmem>> -> memref<1x128x1024xbf16, #tpu.memory_space<vmem>>
        %dma_wait3A_351 = tpu.memref_squeeze %dma_wait3A_350 : memref<1x128x1024xbf16, #tpu.memory_space<vmem>> -> memref<128x1024xbf16, #tpu.memory_space<vmem>>
        tpu.wait_dma2 semaphore(%dma_wait3A_345 : memref<!tpu.dma_semaphore, #tpu.memory_space<semaphore_mem>>) src(%dma_wait3A_351 : memref<128x1024xbf16, #tpu.memory_space<vmem>>) dst(%dma_wait3A_347 : memref<128x1024xbf16, #tpu.memory_space<any>>)
        %dma_wait3A_352 = arith.constant 2 : i32
        %dma_wait3A_353 = tpu.memref_slice %arg9[%rem3A_317, %dma_wait3A_352] : memref<4x8x!tpu.dma_semaphore, #tpu.memory_space<semaphore_mem>> -> memref<1x1x!tpu.dma_semaphore, #tpu.memory_space<semaphore_mem>>
        %dma_wait3A_354 = tpu.memref_squeeze %dma_wait3A_353 : memref<1x1x!tpu.dma_semaphore, #tpu.memory_space<semaphore_mem>> -> memref<!tpu.dma_semaphore, #tpu.memory_space<semaphore_mem>>
        %dma_wait3A_355 = arith.constant 256 : i32
        %dma_wait3A_356 = tpu.memref_slice %arg5[%dma_wait3A_355, %mul3A_323] : memref<1024x100001xbf16, #tpu.memory_space<any>> -> memref<128x1024xbf16, #tpu.memory_space<any>>
        %dma_wait3A_357 = arith.constant 256 : i32
        %dma_wait3A_358 = arith.constant 0 : i32
        %dma_wait3A_359 = tpu.memref_slice %arg7[%rem3A_317, %dma_wait3A_357, %dma_wait3A_358] : memref<4x1024x1024xbf16, #tpu.memory_space<vmem>> -> memref<1x128x1024xbf16, #tpu.memory_space<vmem>>
        %dma_wait3A_360 = tpu.memref_squeeze %dma_wait3A_359 : memref<1x128x1024xbf16, #tpu.memory_space<vmem>> -> memref<128x1024xbf16, #tpu.memory_space<vmem>>
        tpu.wait_dma2 semaphore(%dma_wait3A_354 : memref<!tpu.dma_semaphore, #tpu.memory_space<semaphore_mem>>) src(%dma_wait3A_360 : memref<128x1024xbf16, #tpu.memory_space<vmem>>) dst(%dma_wait3A_356 : memref<128x1024xbf16, #tpu.memory_space<any>>)
        %dma_wait3A_361 = arith.constant 3 : i32
        %dma_wait3A_362 = tpu.memref_slice %arg9[%rem3A_317, %dma_wait3A_361] : memref<4x8x!tpu.dma_semaphore, #tpu.memory_space<semaphore_mem>> -> memref<1x1x!tpu.dma_semaphore, #tpu.memory_space<semaphore_mem>>
        %dma_wait3A_363 = tpu.memref_squeeze %dma_wait3A_362 : memref<1x1x!tpu.dma_semaphore, #tpu.memory_space<semaphore_mem>> -> memref<!tpu.dma_semaphore, #tpu.memory_space<semaphore_mem>>
        %dma_wait3A_364 = arith.constant 384 : i32
        %dma_wait3A_365 = tpu.memref_slice %arg5[%dma_wait3A_364, %mul3A_325] : memref<1024x100001xbf16, #tpu.memory_space<any>> -> memref<128x1024xbf16, #tpu.memory_space<any>>
        %dma_wait3A_366 = arith.constant 384 : i32
        %dma_wait3A_367 = arith.constant 0 : i32
        %dma_wait3A_368 = tpu.memref_slice %arg7[%rem3A_317, %dma_wait3A_366, %dma_wait3A_367] : memref<4x1024x1024xbf16, #tpu.memory_space<vmem>> -> memref<1x128x1024xbf16, #tpu.memory_space<vmem>>
        %dma_wait3A_369 = tpu.memref_squeeze %dma_wait3A_368 : memref<1x128x1024xbf16, #tpu.memory_space<vmem>> -> memref<128x1024xbf16, #tpu.memory_space<vmem>>
        tpu.wait_dma2 semaphore(%dma_wait3A_363 : memref<!tpu.dma_semaphore, #tpu.memory_space<semaphore_mem>>) src(%dma_wait3A_369 : memref<128x1024xbf16, #tpu.memory_space<vmem>>) dst(%dma_wait3A_365 : memref<128x1024xbf16, #tpu.memory_space<any>>)
        %dma_wait3A_370 = arith.constant 4 : i32
        %dma_wait3A_371 = tpu.memref_slice %arg9[%rem3A_317, %dma_wait3A_370] : memref<4x8x!tpu.dma_semaphore, #tpu.memory_space<semaphore_mem>> -> memref<1x1x!tpu.dma_semaphore, #tpu.memory_space<semaphore_mem>>
        %dma_wait3A_372 = tpu.memref_squeeze %dma_wait3A_371 : memref<1x1x!tpu.dma_semaphore, #tpu.memory_space<semaphore_mem>> -> memref<!tpu.dma_semaphore, #tpu.memory_space<semaphore_mem>>
        %dma_wait3A_373 = arith.constant 512 : i32
        %dma_wait3A_374 = tpu.memref_slice %arg5[%dma_wait3A_373, %mul3A_327] : memref<1024x100001xbf16, #tpu.memory_space<any>> -> memref<128x1024xbf16, #tpu.memory_space<any>>
        %dma_wait3A_375 = arith.constant 512 : i32
        %dma_wait3A_376 = arith.constant 0 : i32
        %dma_wait3A_377 = tpu.memref_slice %arg7[%rem3A_317, %dma_wait3A_375, %dma_wait3A_376] : memref<4x1024x1024xbf16, #tpu.memory_space<vmem>> -> memref<1x128x1024xbf16, #tpu.memory_space<vmem>>
        %dma_wait3A_378 = tpu.memref_squeeze %dma_wait3A_377 : memref<1x128x1024xbf16, #tpu.memory_space<vmem>> -> memref<128x1024xbf16, #tpu.memory_space<vmem>>
        tpu.wait_dma2 semaphore(%dma_wait3A_372 : memref<!tpu.dma_semaphore, #tpu.memory_space<semaphore_mem>>) src(%dma_wait3A_378 : memref<128x1024xbf16, #tpu.memory_space<vmem>>) dst(%dma_wait3A_374 : memref<128x1024xbf16, #tpu.memory_space<any>>)
        %dma_wait3A_379 = arith.constant 5 : i32
        %dma_wait3A_380 = tpu.memref_slice %arg9[%rem3A_317, %dma_wait3A_379] : memref<4x8x!tpu.dma_semaphore, #tpu.memory_space<semaphore_mem>> -> memref<1x1x!tpu.dma_semaphore, #tpu.memory_space<semaphore_mem>>
        %dma_wait3A_381 = tpu.memref_squeeze %dma_wait3A_380 : memref<1x1x!tpu.dma_semaphore, #tpu.memory_space<semaphore_mem>> -> memref<!tpu.dma_semaphore, #tpu.memory_space<semaphore_mem>>
        %dma_wait3A_382 = arith.constant 640 : i32
        %dma_wait3A_383 = tpu.memref_slice %arg5[%dma_wait3A_382, %mul3A_329] : memref<1024x100001xbf16, #tpu.memory_space<any>> -> memref<128x1024xbf16, #tpu.memory_space<any>>
        %dma_wait3A_384 = arith.constant 640 : i32
        %dma_wait3A_385 = arith.constant 0 : i32
        %dma_wait3A_386 = tpu.memref_slice %arg7[%rem3A_317, %dma_wait3A_384, %dma_wait3A_385] : memref<4x1024x1024xbf16, #tpu.memory_space<vmem>> -> memref<1x128x1024xbf16, #tpu.memory_space<vmem>>
        %dma_wait3A_387 = tpu.memref_squeeze %dma_wait3A_386 : memref<1x128x1024xbf16, #tpu.memory_space<vmem>> -> memref<128x1024xbf16, #tpu.memory_space<vmem>>
        tpu.wait_dma2 semaphore(%dma_wait3A_381 : memref<!tpu.dma_semaphore, #tpu.memory_space<semaphore_mem>>) src(%dma_wait3A_387 : memref<128x1024xbf16, #tpu.memory_space<vmem>>) dst(%dma_wait3A_383 : memref<128x1024xbf16, #tpu.memory_space<any>>)
        %dma_wait3A_388 = arith.constant 6 : i32
        %dma_wait3A_389 = tpu.memref_slice %arg9[%rem3A_317, %dma_wait3A_388] : memref<4x8x!tpu.dma_semaphore, #tpu.memory_space<semaphore_mem>> -> memref<1x1x!tpu.dma_semaphore, #tpu.memory_space<semaphore_mem>>
        %dma_wait3A_390 = tpu.memref_squeeze %dma_wait3A_389 : memref<1x1x!tpu.dma_semaphore, #tpu.memory_space<semaphore_mem>> -> memref<!tpu.dma_semaphore, #tpu.memory_space<semaphore_mem>>
        %dma_wait3A_391 = arith.constant 768 : i32
        %dma_wait3A_392 = tpu.memref_slice %arg5[%dma_wait3A_391, %mul3A_331] : memref<1024x100001xbf16, #tpu.memory_space<any>> -> memref<128x1024xbf16, #tpu.memory_space<any>>
        %dma_wait3A_393 = arith.constant 768 : i32
        %dma_wait3A_394 = arith.constant 0 : i32
        %dma_wait3A_395 = tpu.memref_slice %arg7[%rem3A_317, %dma_wait3A_393, %dma_wait3A_394] : memref<4x1024x1024xbf16, #tpu.memory_space<vmem>> -> memref<1x128x1024xbf16, #tpu.memory_space<vmem>>
        %dma_wait3A_396 = tpu.memref_squeeze %dma_wait3A_395 : memref<1x128x1024xbf16, #tpu.memory_space<vmem>> -> memref<128x1024xbf16, #tpu.memory_space<vmem>>
        tpu.wait_dma2 semaphore(%dma_wait3A_390 : memref<!tpu.dma_semaphore, #tpu.memory_space<semaphore_mem>>) src(%dma_wait3A_396 : memref<128x1024xbf16, #tpu.memory_space<vmem>>) dst(%dma_wait3A_392 : memref<128x1024xbf16, #tpu.memory_space<any>>)
        %dma_wait3A_397 = arith.constant 7 : i32
        %dma_wait3A_398 = tpu.memref_slice %arg9[%rem3A_317, %dma_wait3A_397] : memref<4x8x!tpu.dma_semaphore, #tpu.memory_space<semaphore_mem>> -> memref<1x1x!tpu.dma_semaphore, #tpu.memory_space<semaphore_mem>>
        %dma_wait3A_399 = tpu.memref_squeeze %dma_wait3A_398 : memref<1x1x!tpu.dma_semaphore, #tpu.memory_space<semaphore_mem>> -> memref<!tpu.dma_semaphore, #tpu.memory_space<semaphore_mem>>
        %dma_wait3A_400 = arith.constant 896 : i32
        %dma_wait3A_401 = tpu.memref_slice %arg5[%dma_wait3A_400, %mul3A_333] : memref<1024x100001xbf16, #tpu.memory_space<any>> -> memref<128x1024xbf16, #tpu.memory_space<any>>
        %dma_wait3A_402 = arith.constant 896 : i32
        %dma_wait3A_403 = arith.constant 0 : i32
        %dma_wait3A_404 = tpu.memref_slice %arg7[%rem3A_317, %dma_wait3A_402, %dma_wait3A_403] : memref<4x1024x1024xbf16, #tpu.memory_space<vmem>> -> memref<1x128x1024xbf16, #tpu.memory_space<vmem>>
        %dma_wait3A_405 = tpu.memref_squeeze %dma_wait3A_404 : memref<1x128x1024xbf16, #tpu.memory_space<vmem>> -> memref<128x1024xbf16, #tpu.memory_space<vmem>>
        tpu.wait_dma2 semaphore(%dma_wait3A_399 : memref<!tpu.dma_semaphore, #tpu.memory_space<semaphore_mem>>) src(%dma_wait3A_405 : memref<128x1024xbf16, #tpu.memory_space<vmem>>) dst(%dma_wait3A_401 : memref<128x1024xbf16, #tpu.memory_space<any>>)
      } else {
      }
    } else {
    }
    return
  }
  func.func @transform_0(%arg0: i32) -> (i32, i32) {
    %c0_i32 = arith.constant 0 : i32
    %c0_i32_0 = arith.constant 0 : i32
    %c0_i32_1 = arith.constant 0 : i32
    return %c0_i32, %c0_i32_0 : i32, i32
  }
  func.func @transform_1(%arg0: i32) -> (i32, i32) {
    %c0_i32 = arith.constant 0 : i32
    %c0_i32_0 = arith.constant 0 : i32
    return %c0_i32, %arg0 : i32, i32
  }
  func.func @transform_2(%arg0: i32) -> (i32, i32) {
    %c0_i32 = arith.constant 0 : i32
    %c0_i32_0 = arith.constant 0 : i32
    %c0_i32_1 = arith.constant 0 : i32
    return %c0_i32, %c0_i32_0 : i32, i32
  }
}

module attributes {stable_mosaic.version = 14 : i64} {
  func.func @_tail_body(%arg0: i32, %arg1: memref<1024x1024xbf16, #tpu.memory_space<vmem>>, %arg2: memref<8x1024x128xbf16, #tpu.memory_space<vmem>>, %arg3: memref<8x1024xf32, #tpu.memory_space<vmem>>, %arg4: memref<1024x8xbf16, #tpu.memory_space<vmem>>, %arg5: memref<1024x100001xbf16, #tpu.memory_space<any>>, %arg6: memref<1024x1024xbf16, #tpu.memory_space<vmem>>) attributes {dimension_semantics = [#tpu.dimension_semantics<arbitrary>], iteration_bounds = array<i64: 1>, scalar_prefetch = 0 : i64, scratch_operands = 0 : i64, tpu.core_type = #tpu.core_type<tc>, window_params = [{pipeline_mode = #tpu.pipeline_mode<synchronous>, transform_indices = @transform_0, window_bounds = array<i64: 1024, 1024>}, {transform_indices = @transform_1, window_bounds = array<i64: 8, 1024, 128>}, {transform_indices = @transform_2, window_bounds = array<i64: 8, 1024>}, {pipeline_mode = #tpu.pipeline_mode<synchronous>, transform_indices = @transform_3, window_bounds = array<i64: 1024, 8>}, {}, {transform_indices = @transform_5, window_bounds = array<i64: 1024, 1024>}]} {
    %get3A = arith.constant 0 : index
    %get3A_0 = arith.constant 0 : index
    %get3A_1 = vector.load %arg4[%get3A, %get3A_0] : memref<1024x8xbf16, #tpu.memory_space<vmem>>, vector<1024x8xbf16>
    %get3A_2 = arith.constant 0 : index
    %get3A_3 = arith.constant 0 : index
    %get3A_4 = vector.load %arg3[%get3A_2, %get3A_3] : memref<8x1024xf32, #tpu.memory_space<vmem>>, vector<8x1024xf32>
    %convert_element_type3A = arith.truncf %get3A_4 : vector<8x1024xf32> to vector<8x1024xbf16>
    %dot_general3A = arith.constant dense<0.000000e+00> : vector<1024x1024xf32>
    %dot_general3A_5 = tpu.matmul %get3A_1, %convert_element_type3A, %dot_general3A {dimension_numbers = #tpu.dot_dimension_numbers<[1], [0], [0], [1], [0, 0, 1, 1], [], []>, transpose_lhs_hint = false} : vector<1024x8xbf16>, vector<8x1024xbf16>, vector<1024x1024xf32> -> vector<1024x1024xf32>
    %get3A_6 = arith.constant 0 : index
    %get3A_7 = arith.constant 0 : index
    %get3A_8 = arith.constant 0 : index
    %get3A_9 = vector.load %arg2[%get3A_6, %get3A_7, %get3A_8] : memref<8x1024x128xbf16, #tpu.memory_space<vmem>>, vector<1x1024x128xbf16>
    %get3A_10 = vector.shape_cast %get3A_9 : vector<1x1024x128xbf16> to vector<1024x128xbf16>
    %get3A_11 = arith.constant 1 : index
    %get3A_12 = arith.constant 0 : index
    %get3A_13 = arith.constant 0 : index
    %get3A_14 = vector.load %arg2[%get3A_11, %get3A_12, %get3A_13] : memref<8x1024x128xbf16, #tpu.memory_space<vmem>>, vector<1x1024x128xbf16>
    %get3A_15 = vector.shape_cast %get3A_14 : vector<1x1024x128xbf16> to vector<1024x128xbf16>
    %get3A_16 = arith.constant 2 : index
    %get3A_17 = arith.constant 0 : index
    %get3A_18 = arith.constant 0 : index
    %get3A_19 = vector.load %arg2[%get3A_16, %get3A_17, %get3A_18] : memref<8x1024x128xbf16, #tpu.memory_space<vmem>>, vector<1x1024x128xbf16>
    %get3A_20 = vector.shape_cast %get3A_19 : vector<1x1024x128xbf16> to vector<1024x128xbf16>
    %get3A_21 = arith.constant 3 : index
    %get3A_22 = arith.constant 0 : index
    %get3A_23 = arith.constant 0 : index
    %get3A_24 = vector.load %arg2[%get3A_21, %get3A_22, %get3A_23] : memref<8x1024x128xbf16, #tpu.memory_space<vmem>>, vector<1x1024x128xbf16>
    %get3A_25 = vector.shape_cast %get3A_24 : vector<1x1024x128xbf16> to vector<1024x128xbf16>
    %get3A_26 = arith.constant 4 : index
    %get3A_27 = arith.constant 0 : index
    %get3A_28 = arith.constant 0 : index
    %get3A_29 = vector.load %arg2[%get3A_26, %get3A_27, %get3A_28] : memref<8x1024x128xbf16, #tpu.memory_space<vmem>>, vector<1x1024x128xbf16>
    %get3A_30 = vector.shape_cast %get3A_29 : vector<1x1024x128xbf16> to vector<1024x128xbf16>
    %get3A_31 = arith.constant 5 : index
    %get3A_32 = arith.constant 0 : index
    %get3A_33 = arith.constant 0 : index
    %get3A_34 = vector.load %arg2[%get3A_31, %get3A_32, %get3A_33] : memref<8x1024x128xbf16, #tpu.memory_space<vmem>>, vector<1x1024x128xbf16>
    %get3A_35 = vector.shape_cast %get3A_34 : vector<1x1024x128xbf16> to vector<1024x128xbf16>
    %get3A_36 = arith.constant 6 : index
    %get3A_37 = arith.constant 0 : index
    %get3A_38 = arith.constant 0 : index
    %get3A_39 = vector.load %arg2[%get3A_36, %get3A_37, %get3A_38] : memref<8x1024x128xbf16, #tpu.memory_space<vmem>>, vector<1x1024x128xbf16>
    %get3A_40 = vector.shape_cast %get3A_39 : vector<1x1024x128xbf16> to vector<1024x128xbf16>
    %get3A_41 = arith.constant 7 : index
    %get3A_42 = arith.constant 0 : index
    %get3A_43 = arith.constant 0 : index
    %get3A_44 = vector.load %arg2[%get3A_41, %get3A_42, %get3A_43] : memref<8x1024x128xbf16, #tpu.memory_space<vmem>>, vector<1x1024x128xbf16>
    %get3A_45 = vector.shape_cast %get3A_44 : vector<1x1024x128xbf16> to vector<1024x128xbf16>
    %concatenate3A = tpu.concatenate %get3A_10, %get3A_15, %get3A_20, %get3A_25, %get3A_30, %get3A_35, %get3A_40, %get3A_45 in 1 : vector<1024x128xbf16>, vector<1024x128xbf16>, vector<1024x128xbf16>, vector<1024x128xbf16>, vector<1024x128xbf16>, vector<1024x128xbf16>, vector<1024x128xbf16>, vector<1024x128xbf16> -> vector<1024x1024xbf16>
    %get3A_46 = arith.constant 0 : index
    %get3A_47 = arith.constant 0 : index
    %get3A_48 = vector.load %arg1[%get3A_46, %get3A_47] : memref<1024x1024xbf16, #tpu.memory_space<vmem>>, vector<1024x1024xbf16>
    %dot_general3A_49 = arith.constant dense<0.000000e+00> : vector<1024x1024xf32>
    %dot_general3A_50 = tpu.matmul %get3A_48, %concatenate3A, %dot_general3A_49 {dimension_numbers = #tpu.dot_dimension_numbers<[1], [1], [0], [0], [0, 0, 1, 0], [], []>, transpose_lhs_hint = false} : vector<1024x1024xbf16>, vector<1024x1024xbf16>, vector<1024x1024xf32> -> vector<1024x1024xf32>
    %add3A = arith.addf %dot_general3A_5, %dot_general3A_50 : vector<1024x1024xf32>
    %convert_element_type3A_51 = arith.truncf %add3A : vector<1024x1024xf32> to vector<1024x1024xbf16>
    %swap3A = arith.constant 0 : index
    %swap3A_52 = arith.constant 0 : index
    %swap3A_53 = vector.load %arg6[%swap3A, %swap3A_52] : memref<1024x1024xbf16, #tpu.memory_space<vmem>>, vector<1024x1024xbf16>
    tpu.vector_store %arg6[%swap3A, %swap3A_52], %convert_element_type3A_51 {strides = array<i32>} : memref<1024x1024xbf16, #tpu.memory_space<vmem>>, vector<1024x1024xbf16>,
    return
  }
  func.func @transform_0(%arg0: i32) -> (i32, i32) {
    %c0_i32 = arith.constant 0 : i32
    %c0_i32_0 = arith.constant 0 : i32
    %c0_i32_1 = arith.constant 0 : i32
    return %c0_i32, %c0_i32_0 : i32, i32
  }
  func.func @transform_1(%arg0: i32) -> (i32, i32, i32) {
    %c0_i32 = arith.constant 0 : i32
    %c97_i32 = arith.constant 97 : i32
    %c0_i32_0 = arith.constant 0 : i32
    %c0_i32_1 = arith.constant 0 : i32
    return %c0_i32, %c97_i32, %c0_i32_0 : i32, i32, i32
  }
  func.func @transform_2(%arg0: i32) -> (i32, i32) {
    %c0_i32 = arith.constant 0 : i32
    %c97_i32 = arith.constant 97 : i32
    %c0_i32_0 = arith.constant 0 : i32
    return %c0_i32, %c97_i32 : i32, i32
  }
  func.func @transform_3(%arg0: i32) -> (i32, i32) {
    %c0_i32 = arith.constant 0 : i32
    %c0_i32_0 = arith.constant 0 : i32
    %c0_i32_1 = arith.constant 0 : i32
    return %c0_i32, %c0_i32_0 : i32, i32
  }
  func.func @transform_5(%arg0: i32) -> (i32, i32) {
    %c0_i32 = arith.constant 0 : i32
    %c97_i32 = arith.constant 97 : i32
    %c0_i32_0 = arith.constant 0 : i32
    return %c0_i32, %c97_i32 : i32, i32
  }
}

</mosaic_0001>

<sc_bundles>
// kernel: kernel.6.cloned.1.call-start
scs
__scs_entry_jumppad:
0x0: {  	(pc) =	sbr.rel $0x88, $3  }
0x1: {  	(tag) =	ssettag $0x0;
	lr =	simm.s32 $0x1  }
0x2: {  	[smem:$0x3F96] =	sst lr;
	_ =	strace $0xD0000000  }
0x3: {  	_ = 	snop  }
0x4: {  	_ = 	snop  }
0x5: {  	_ = 	snop  }
0x6: {  	_ = 	snop  }
0x7: {  	_ = 	snop  }
__scs_overlays_trampoline_lowered:
0x8: {  	[smem:$0x3FA5] =	sst s0  }
0x9: {  	[smem:$0x3FA6] =	sst s1  }
0xa: {  	[smem:$0x3FA7] =	sst s2  }
0xb: {  	[smem:$0x3FA8] =	sst s3  }
0xc: {  	[smem:$0x3FA9] =	sst s4  }
0xd: {  	[smem:$0x3FAA] =	sst s5  }
0xe: {  	[smem:$0x3FAB] =	sst s6  }
0xf: {  	[smem:$0x3FAC] =	sst s7  }
0x10: {  	[smem:$0x3FAD] =	sst s8  }
0x11: {  	[smem:$0x3FAE] =	sst s9;
	s0 =	simm.s32 @!p0 $0x0  }
0x12: {  	s1 =	sld [smem:$0x3F94];
	s0 =	simm.s32 @p0 $0x1  }
0x13: {  	[smem:$0x3FAF] =	sst s0;
	s0 =	simm.s32 @!p1 $0x0  }
0x14: {  	s2 =	sld [smem:$0x3F93];
	s0 =	simm.s32 @p1 $0x1  }
0x15: {  	[smem:$0x3FB0] =	sst s0;
	s0 =	simm.s32 @!p2 $0x0  }
0x16: {  	s3 =	sld [smem:$0x3FDB];
	s0 =	simm.s32 @p2 $0x1  }
0x17: {  	s4 =	simm.s32 $0x1BF5;
	[smem:$0x3FB2] =	sst s0  }
0x18: {  	s0 =	sld [smem:$0x3F95];
	_ =	swait.ge [sflag:s4], $0x0  }
0x19: {  	s7 =	sld [smem:$0x3F96]  }
0x1a: {  	s8 =	sadd.s32 $0xFFFFE003, lr  }
0x1b: {  	s9 =	sadd.s32 $0xFFFFFEF7, lr;
	s5 =	simm.s32 $0xFFFFFFFF;
	p2 =	slt.u32 s8, $0xFFFFF086  }
0x1c: {  	p1 =	slt.u32 s9, $0xF7A;
	s5 =	simm.s32 @!p2 $0x0  }
0x1d: {  	s5 =	simm.s32 @p1 $0x1;
	p0 =	seq.s32 s7, s2  }
0x1e: {  	s7 =	smul.u32 @!p0 $0xF7A, s2;
	p2 =	seq.s32 @!p0 s5, $0x0  }
0x1f: {  	s9 =	smul.u32 $0xF7A, s1;
	s8 =	simm.s32 @!p0 $0x1BF5;
	p2 =	por !p2, p0  }
0x20: {  	[sflag:s8] =	ssyncset.s32 @!p0 $0xFFFFF086;
	s6 =	sadd.s32 @!p0 s3, s7;
	s7 =	simm.s32 @!p0 $0x108  }
0x21: {  	s3 =	sadd.s32 s3, s9;
	s6 =	sadd.s32 @!p0 $0x88, s6;
	s7 =	simm.s32 @p2 $0x1082  }
0x22: {  	[simem:s7], [sflag:s8] =	dma.local @!p0 [hbm:s6], $0xF7A  }
0x23: {  	s9 =	sor.u32 $0xD0000000, s2;
	s6 =	simm.s32 $0x108;
	_ =	swait.ge @!p0 [sflag:s8], $0x0  }
0x24: {  	s3 =	sadd.s32 $0x88, s3;
	s6 =	simm.s32 @!p1 $0x1082;
	[sflag:s4] =	ssyncset.s32 $0xFFFFF086  }
0x25: {  	[simem:s6], [sflag:s4] =	dma.local [hbm:s3], $0xF7A  }
0x26: {  	[smem:$0x3F96] =	sst s1;
	(tag) =	ssettag s2;
	_ =	strace s9  }
0x27: {  	s1 =	sld [smem:$0x3FA6]  }
0x28: {  	s2 =	sld [smem:$0x3FA7]  }
0x29: {  	s4 =	sld [smem:$0x3FA9]  }
0x2a: {  	p0 =	seq.s32 s5, $0x0;
	s5 =	sld [smem:$0x3FAA]  }
0x2b: {  	s6 =	sld [smem:$0x3FAB]  }
0x2c: {  	s7 =	sld [smem:$0x3FAC]  }
0x2d: {  	s3 =	simm.s32 $0x108;
	s8 =	sld [smem:$0x3FAD]  }
0x2e: {  	s3 =	simm.s32 @!p0 $0x1082;
	s9 =	sld [smem:$0x3FAE]  }
0x2f: {  	lr =	sadd.s32 s0, s3;
	s0 =	sld [smem:$0x3FA5]  }
0x30: {  	s3 =	sld [smem:$0x3FA8]  }
0x31: {  	[smem:$0x3FB1] =	sst s10  }
0x32: {  	s10 =	sld [smem:$0x3FAF];
	_ =	sdelay $0x3  }
0x33: {  	p0 =	seq.s32 s10, $0x1;
	s10 =	sld [smem:$0x3FB1];
	_ =	sdelay $0x3  }
0x34: {  	[smem:$0x3FB1] =	sst s10  }
0x35: {  	s10 =	sld [smem:$0x3FB0];
	_ =	sdelay $0x3  }
0x36: {  	p1 =	seq.s32 s10, $0x1;
	s10 =	sld [smem:$0x3FB1];
	_ =	sdelay $0x3  }
0x37: {  	[smem:$0x3FB1] =	sst s10  }
0x38: {  	s10 =	sld [smem:$0x3FB2]  }
0x39: {  	_ = 	snop;
	(pc) =	sbr.ind lr, $3  }
0x3a: {  	_ = 	snop  }
0x3b: {  	_ = 	snop  }
0x3c: {  	p2 =	seq.s32 s10, $0x1;
	s10 =	sld [smem:$0x3FB1]  }
0x3d: {  	_ =	shalt  }
0x3e: {  	_ =	shalt  }
0x3f: {  	_ =	shalt  }
0x40: {  	_ =	shalt  }
0x41: {  	_ =	shalt  }
0x42: {  	_ =	shalt  }
0x43: {  	_ =	shalt  }
0x44: {  	_ =	shalt  }
0x45: {  	_ =	shalt  }
0x46: {  	_ =	shalt  }
0x47: {  	_ =	shalt  }
0x48: {  	_ =	shalt  }
0x49: {  	_ =	shalt  }
0x4a: {  	_ =	shalt  }
0x4b: {  	_ =	shalt  }
0x4c: {  	_ =	shalt  }
0x4d: {  	_ =	shalt  }
0x4e: {  	_ =	shalt  }
0x4f: {  	_ =	shalt  }
0x50: {  	_ =	shalt  }
0x51: {  	_ =	shalt  }
0x52: {  	_ =	shalt  }
0x53: {  	_ =	shalt  }
0x54: {  	_ =	shalt  }
0x55: {  	_ =	shalt  }
0x56: {  	_ =	shalt  }
0x57: {  	_ =	shalt  }
0x58: {  	_ =	shalt  }
0x59: {  	_ =	shalt  }
0x5a: {  	_ =	shalt  }
0x5b: {  	_ =	shalt  }
0x5c: {  	_ =	shalt  }
0x5d: {  	_ =	shalt  }
0x5e: {  	_ =	shalt  }
0x5f: {  	_ =	shalt  }
0x60: {  	_ =	shalt  }
0x61: {  	_ =	shalt  }
0x62: {  	_ =	shalt  }
0x63: {  	_ =	shalt  }
0x64: {  	_ =	shalt  }
0x65: {  	_ =	shalt  }
0x66: {  	_ =	shalt  }
0x67: {  	_ =	shalt  }
0x68: {  	_ =	shalt  }
0x69: {  	_ =	shalt  }
0x6a: {  	_ =	shalt  }
0x6b: {  	_ =	shalt  }
0x6c: {  	_ =	shalt  }
0x6d: {  	_ =	shalt  }
0x6e: {  	_ =	shalt  }
0x6f: {  	_ =	shalt  }
0x70: {  	_ =	shalt  }
0x71: {  	_ =	shalt  }
0x72: {  	_ =	shalt  }
0x73: {  	_ =	shalt  }
0x74: {  	_ =	shalt  }
0x75: {  	_ =	shalt  }
0x76: {  	_ =	shalt  }
0x77: {  	_ =	shalt  }
0x78: {  	_ =	shalt  }
0x79: {  	_ =	shalt  }
0x7a: {  	_ =	shalt  }
0x7b: {  	_ =	shalt  }
0x7c: {  	_ =	shalt  }
0x7d: {  	_ =	shalt  }
0x7e: {  	_ =	shalt  }
0x7f: {  	_ =	shalt  }
0x80: {  	_ =	shalt  }
0x81: {  	_ =	shalt  }
0x82: {  	_ =	shalt  }
0x83: {  	_ =	shalt  }
0x84: {  	_ =	shalt  }
0x85: {  	_ =	shalt  }
0x86: {  	_ =	shalt  }
0x87: {  	_ =	shalt  }
.Lfunc_end0:
.L_simem_size_0:
called_computation_lowered:
.L_overlay_start_0:
0x88: {  	s2 =	sld [smem:$0x3FD9]  }
0x89: {  	s3 =	sld [smem:$0x3FFE];
	_ =	sdelay $0x1  }
0x8a: {  	s1 =	srdreg.scid  }
0x8b: {  	s0 =	sand.u32 $0x1, s1  }
0x8c: {  	s17 =	sshll.u32 s0, $0xA;
	s2 =	sadd.s32 s3, s2  }
0x8d: {  	s2 =	sadd.s32 s2, s17  }
0x8e: {  	[smem:$0x3FBD] =	sst s2  }
0x8f: {  	_ = 	snop  }
0x90: {  	s2 =	sld [smem:$0x3FC9]  }
0x91: {  	s18 =	sld [smem:$0x3FC8];
	(tm) =	ssettm $0x1  }
0x92: {  	s4 =	sld [smem:$0x3FFB];
	_ =	sdelay $0x3  }
0x93: {  	_ =	strace s4  }
0x94: {  	s4 =	sld [smem:$0x3FFC];
	_ =	sdelay $0x3  }
0x95: {  	_ =	strace s4  }
0x96: {  	s4 =	sld [smem:$0x3FFD];
	_ =	sdelay $0x3  }
0x97: {  	_ =	strace s4  }
0x98: {  	_ =	strace $0x8FFFFFFF  }
0x99: {  	s19 =	sld [smem:$0x3FDB];
	_ =	sdelay $0x1  }
0x9a: {  	s5 =	simm.s32 $_scs_section_size  }
0x9b: {  	s6 =	simm.s32 $_size__tile_overlayer_lowered;
	s7 =	simm.s32 $_tile_overlayer_lowered  }
0x9c: {  	s22 =	simm.s32 $0x1BFF;
	s21 =	sshll.u32 s7, $0x1;
	s4 =	sadd.s32 s5, s19  }
0x9d: {  	s8 =	simm.s32 $0x0;
	s20 =	sshll.u32 s6, $0x1;
	s6 =	sadd.s32 s21, s4  }
0x9e: {  	[timem:s8], [sflag:s22] =	dma.local [hbm:s6], s20  }
0x9f: {  	_ =	swait.ge [sflag:s22], s20  }
0xa0: {  	s5 =	ssub.s32 $0x0, s20;
	[sflag:s22] =	ssyncset.done $0x0  }
0xa1: {  	[sflag:s22] =	ssyncadd.s32 s5;
	_ =	sdelay $0x1  }
0xa2: {  	s23 =	simm.s32 $0x1B8B  }
0xa3: {  	_ =	swait.ge [sflag:s23], $0x1  }
0xa4: {  	[sflag:s23] =	ssyncset.done $0x0  }
0xa5: {  	s25 =	simm.s32 $0x1B8E;
	s24 =	sld [smem:$0x3FFE];
	[sflag:s23] =	ssyncadd.s32 $0xFFFFFFFF  }
0xa6: {  	s26 =	simm.s32 $execute0_lowered;
	[smem:$0x3FD2] =	sst s25  }
0xa7: {  	s6 =	sshll.u32 s26, $0x1;
	_ =	strace $0x80000046;
	[dreg:$0x1] =	wrdreg $0xFFFFFFFF  }
0xa8: {  	s28 =	simm.s32 $_size_execute0_lowered;
	s4 =	sadd.s32 s4, s6;
	[dreg:$0x0] =	wrdreg $0x0  }
0xa9: {  	s6 =	sshll.u32 s28, $0x1;
	[dreg:$0x2] =	wrdreg s4  }
0xaa: {  	[dreg:$0x3] =	wrdreg s6  }
0xab: {  	[dreg:$0x4] =	wrdreg $0xC0  }
0xac: {  	_ =	task [dreg:s8], $0x5FFFF  }
0xad: {  	[dreg:$0x1] =	wrdreg $0xFFFFFFFF  }
0xae: {  	[dreg:$0x0] =	wrdreg $0x60  }
0xaf: {  	[dreg:$0x2] =	wrdreg s24  }
0xb0: {  	[dreg:$0x3] =	wrdreg s2  }
0xb1: {  	[dreg:$0x4] =	wrdreg s18  }
0xb2: {  	[dreg:$0x5] =	wrdreg $0x9  }
0xb3: {  	_ =	task.clear_ibuf [dreg:s8], $0x6FFFF;
	_ =	strace $0x90000046  }
0xb4: {  	s29 =	simm.s32 $0x9;
	_ =	strace $0x80000048  }
0xb5: {  	_ =	swait.ge [sflag:s29], $0x1  }
0xb6: {  	[sflag:s29] =	ssyncadd.s32 $0xFFFFFFFF  }
0xb7: {  	_ =	strace $0x90000048  }
0xb8: {  	_ =	sfence  }
0xb9: {  	s30 =	sld [smem:$0x0];
	_ =	sdelay $0x2  }
0xba: {  	s31 =	sshll.u32 s1, $0xD;
	s1 =	sshrl.u32 s1, $0x2  }
0xbb: {  	s3 =	sand.u32 $0x4000, s31;
	s1 =	sadd.s32 s1, s30  }
0xbc: {  	s0 =	sor.u32 s3, s0;
	s1 =	sshll.u32 s1, $0x11  }
0xbd: {  	s0 =	sor.u32 s1, s0  }
0xbe: {  	s0 =	sadd.s32 $0x8F2B, s0  }
0xbf: {  	[sflag:s0] =	ssyncadd.remote.s32 $0x1  }
0xc0: {  	_ =	sfence.sel $0xFFFF  }
0xc1: {  	[dreg:$0x0] =	wrdreg $0xFFFFFFFF;
	(pc) =	sbr.abs _section_cstart, $3  }
0xc2: {  	[dreg:$0x1] =	wrdreg $0xFFFFFFFF  }
0xc3: {  	_ =	task.clear_ibuf [dreg:s8], $0x2FFFF;
	_ =	strace $0x9FFFFFFF  }
0xc4: {  	(tm) =	ssettm $0x7FFFFFFF  }
0xc5: {  	_ =	shalt  }
tec
execute0_lowered:
.L_overlay_start_1:
0x0: {  	(tag) =	ssettag $0x1  }
0x1: {  	s10 =	rddreg [dreg:$0x0];
	s1 =	srdreg.scid  }
0x2: {  	s3 =	rddreg [dreg:$0x1];
	s0 =	stileid.u32;
	s11 =	sand.u32 $0x1, s1  }
0x3: {  	s9 =	rddreg [dreg:$0x2];
	s4 =	sshll.u32 s0, $0x6;
	s5 =	sshll.u32 s11, $0x5  }
0x4: {  	s2 =	simm.s32 $0x0;
	s1 =	rddreg [dreg:$0x3];
	s8 =	sor.u32 s5, s4  }
0x5: {  	[smem:$0x7FF] =	sst s2;
	s12 =	sshrl.u32 s8, $0x3  }
0x6: {  	_ =	strace $0x80000047;
	s4 =	sadd.s32 s3, s12;
	s3 =	simm.s32 $0x2  }
0x7: {  	[tilespmem:s2], [sflag:$0x2] =	stream.linear.gather [hbm4b:s4+s2], $0x20, $0x38;
	[tilespmem:$0x820] =	vst v63  }
0x8: {  	_ =	swait.ge [sflag:s3], $0x20  }
0x9: {  	s6 =	simm.s32 $0x20;
	[sflag:s3] =	ssyncset.done $0x0  }
0xa: {  	s7 =	simm.s32 $0x1;
	s5 =	sadd.s32 $0x1600, s10;
	[sflag:s3] =	ssyncadd.s32 $0xFFFFFFE0  }
0xb: {  	[tilespmem:s6], [sflag:$0x1] =	stream.indirect.gather [hbm4b:s5+s6], $0x40, s2, s6, $0xb8;
	[tilespmem:$0x820] =	vst v63  }
0xc: {  	s8 =	sshll.u32 s8, $0x3;
	_ =	swait.ge [sflag:s7], $0x800  }
0xd: {  	s13 =	sadd.s32 s8, s10;
	[sflag:s7] =	ssyncset.done $0x0  }
0xe: {  	s8 =	sadd.s32 $0xC4C00, s13;
	[sflag:s7] =	ssyncadd.s32 $0xFFFFF800  }
0xf: {  	[hbm4b:s8+s2] =	stream.linear.scatter [tilespmem:s6], [sflag:$0x2], $0x800, $0x38;
	[tilespmem:$0x820] =	vst v63  }
0x10: {  	_ =	swait.ge [sflag:s3], $0x800  }
0x11: {  	[sflag:s3] =	ssyncset.done $0x0  }
0x12: {  	s11 =	ssub.s32 $0x2, s11;
	s9 =	sadd.s32 s9, s12;
	[sflag:s3] =	ssyncadd.s32 $0xFFFFF800  }
0x13: {  	[tilespmem:s2], [sflag:$0x2] =	stream.linear.gather [hbm4b:s9+s2], $0x20, $0x38;
	[tilespmem:$0x820] =	vst v63  }
0x14: {  	s31 =	sshrl.u32 s11, $0x1;
	_ =	swait.ge [sflag:s3], $0x20  }
0x15: {  	s12 =	ssub.s32 s11, s31;
	[sflag:s3] =	ssyncset.done $0x0  }
0x16: {  	s10 =	sadd.s32 $0x1400, s10;
	s12 =	smax.u32 s12, $0x1;
	[sflag:s3] =	ssyncadd.s32 $0xFFFFFFE0  }
0x17: {  	[tilespmem:s6], [sflag:$0x1] =	stream.indirect.gather [hbm4b:s10+s6], $0x40, s2, s6, $0xb8;
	[tilespmem:$0x820] =	vst v63  }
0x18: {  	p0 =	sne.s32 s12, $0x1;
	_ =	swait.ge [sflag:s7], $0x800  }
.Ltmp0:
0x19: {  	[sflag:s7] =	ssyncset.done $0x0;
	(pc) =	sbr.rel @!p0 .LBB2_2-.Ltmp0, $4  }
0x1a: {  	s11 =	sadd.s32 $0xC6C00, s13;
	[sflag:s7] =	ssyncadd.s32 $0xFFFFF800  }
0x1b: {  	[hbm4b:s11+s2] =	stream.linear.scatter [tilespmem:s6], [sflag:$0x2], $0x800, $0x38;
	[tilespmem:$0x820] =	vst v63  }
0x1c: {  	_ =	swait.ge [sflag:s3], $0x800  }
0x1d: {  	s12 =	sadd.s32 $0xFFFFFFFF, s12;
	[sflag:s3] =	ssyncset.done $0x0  }
.LBB2_1:
0x1e: {  	p0 =	sne.s32 s12, $0x1;
	s12 =	sadd.s32 $0xFFFFFFFF, s12;
	[sflag:s3] =	ssyncadd.s32 $0xFFFFF800  }
0x1f: {  	[tilespmem:s2], [sflag:$0x2] =	stream.linear.gather [hbm4b:s4+s2], $0x20, $0x38;
	[tilespmem:$0x820] =	vst v63  }
0x20: {  	_ =	swait.ge [sflag:s3], $0x20  }
0x21: {  	[sflag:s3] =	ssyncset.done $0x0  }
0x22: {  	[sflag:s3] =	ssyncadd.s32 $0xFFFFFFE0  }
0x23: {  	[tilespmem:s6], [sflag:$0x1] =	stream.indirect.gather [hbm4b:s5+s6], $0x40, s2, s6, $0xb8;
	[tilespmem:$0x820] =	vst v63  }
0x24: {  	_ =	swait.ge [sflag:s7], $0x800  }
0x25: {  	[sflag:s7] =	ssyncset.done $0x0  }
0x26: {  	[sflag:s7] =	ssyncadd.s32 $0xFFFFF800  }
0x27: {  	[hbm4b:s8+s2] =	stream.linear.scatter [tilespmem:s6], [sflag:$0x2], $0x800, $0x38;
	[tilespmem:$0x820] =	vst v63  }
0x28: {  	_ =	swait.ge [sflag:s3], $0x800  }
0x29: {  	[sflag:s3] =	ssyncset.done $0x0  }
0x2a: {  	[sflag:s3] =	ssyncadd.s32 $0xFFFFF800  }
0x2b: {  	[tilespmem:s2], [sflag:$0x2] =	stream.linear.gather [hbm4b:s9+s2], $0x20, $0x38;
	[tilespmem:$0x820] =	vst v63  }
0x2c: {  	_ =	swait.ge [sflag:s3], $0x20  }
0x2d: {  	[sflag:s3] =	ssyncset.done $0x0  }
0x2e: {  	[sflag:s3] =	ssyncadd.s32 $0xFFFFFFE0  }
0x2f: {  	[tilespmem:s6], [sflag:$0x1] =	stream.indirect.gather [hbm4b:s10+s6], $0x40, s2, s6, $0xb8;
	[tilespmem:$0x820] =	vst v63  }
0x30: {  	_ =	swait.ge [sflag:s7], $0x800  }
.Ltmp1:
0x31: {  	[sflag:s7] =	ssyncset.done $0x0;
	(pc) =	sbr.rel @p0 .LBB2_1-.Ltmp1, $4  }
0x32: {  	[sflag:s7] =	ssyncadd.s32 $0xFFFFF800  }
0x33: {  	[hbm4b:s11+s2] =	stream.linear.scatter [tilespmem:s6], [sflag:$0x2], $0x800, $0x38;
	[tilespmem:$0x820] =	vst v63  }
0x34: {  	_ =	swait.ge [sflag:s3], $0x800  }
0x35: {  	[sflag:s3] =	ssyncset.done $0x0  }
.LBB2_2:
0x36: {  	[sflag:s3] =	ssyncadd.s32 $0xFFFFF800  }
0x37: {  	_ =	sfence.sel $0x180000  }
0x38: {  	[bflag:$0x0] =	sbarrier.arrive $0xFFFF  }
0x39: {  	p0 =	sne.s32 s0, $0x0;
	_ =	strace $0x90000047  }
0x3a: {  	s0 =	sadd.s32 @!p0 $0x100000, s1;
	[bflag:$0x2] =	sbarrier.arrive $0xFFFF  }
0x3b: {  	[sflag:s0] =	ssyncadd.tile.s32 @!p0 $0x1;
	_ =	shalt  }
.Lfunc_end2:
_tile_overlayer_lowered:
.L_overlay_start_2:
0x3c: {  	(tag) =	ssettag $0x2  }
0x3d: {  	s0 =	rddreg [dreg:$0x0];
	s2 =	stileid.u32  }
0x3e: {  	s1 =	rddreg [dreg:$0x1];
	p0 =	sne.s32 s2, $0x0  }
0x3f: {  	s3 =	rddreg [dreg:$0x2];
	[bflag:$0x3] =	sbarrier.arrive $0xFFFF;
	s2 =	simm.s32 @!p0 $0x1C02  }
0x40: {  	[timem:s3], [sflag:s2] =	dma.local @!p0 [hbm:s0], s1  }
0x41: {  	s0 =	simm.s32 @!p0 $0x2  }
0x42: {  	_ =	swait.ge @!p0 [sflag:s0], s1  }
0x43: {  	s1 =	ssub.s32 @!p0 $0x0, s1;
	[sflag:s0] =	ssyncset.done @!p0 $0x0  }
0x44: {  	[sflag:s0] =	ssyncadd.s32 @!p0 s1  }
0x45: {  	[bflag:$0x3] =	sbarrier.arrive $0xFFFF  }
0x46: {  	_ =	shalt  }

</sc_bundles>
